<compile_context>
chip_gen: v7x
topology: tpu7x:2x2x1
jax: 0.10.2.dev20260603
libtpu: 0.0.44.dev20260713+nightly
codegen_flags: <defaults>
</compile_context>

<pallas_src>
import functools

import jax
import jax.numpy as jnp
from jax import lax
from jax.experimental import pallas as pl
from jax.experimental.pallas import tpu as pltpu
from jax.experimental.pallas import tpu_sc as plsc

ROWS = 8192
DIM = 4096
NC = 2
NS = 16
L = 16
NW = NC * NS
ROWS_PER_W = ROWS // NW
RB = 8
HD = DIM // 2
NBLK = ROWS_PER_W // RB


@functools.partial(
    pl.kernel,
    out_type=jax.ShapeDtypeStruct((ROWS, DIM), jnp.float32),
    mesh=plsc.VectorSubcoreMesh(core_axis_name="c", subcore_axis_name="s"),
    compiler_params=pltpu.CompilerParams(needs_layout_passes=False),
    scratch_types=[
        pltpu.VMEM((DIM,), jnp.int32),
        pltpu.VMEM((RB, DIM), jnp.float32),
        pltpu.VMEM((RB, DIM), jnp.float32),
        pltpu.VMEM((RB, HD), jnp.float32),
        pltpu.VMEM((RB, HD), jnp.float32),
        pltpu.SemaphoreType.DMA,
        pltpu.SemaphoreType.DMA,
        pltpu.SemaphoreType.DMA,
        pltpu.SemaphoreType.DMA,
    ],
)
def _permute(x_hbm, perm_hbm, out_hbm, perm_v, in0, in1, out0, out1,
             si0, si1, so0, so1):
    wid = lax.axis_index("s") * NC + lax.axis_index("c")
    base = wid * ROWS_PER_W
    ins, outs = [in0, in1], [out0, out1]
    sin, sout = [si0, si1], [so0, so1]

    pltpu.sync_copy(perm_hbm, perm_v)

    def start_in(b, k):
        pltpu.async_copy(x_hbm.at[pl.ds(base + b * RB, RB)], ins[k], sin[k])

    def wait_in(k):
        pltpu.make_async_copy(
            x_hbm.at[pl.ds(base, RB)], ins[k], sin[k]).wait()

    def start_out(b, h):
        pltpu.async_copy(
            outs[h],
            out_hbm.at[pl.ds(base + b * RB, RB), pl.ds(h * HD, HD)],
            sout[h])

    def wait_out(h):
        pltpu.make_async_copy(
            outs[h], out_hbm.at[pl.ds(base, RB), pl.ds(0, HD)],
            sout[h]).wait()

    def gather_half(src, h):
        dst = outs[h]

        @plsc.parallel_loop(0, HD // L, unroll=4)
        def _(j):
            pvec = perm_v[pl.ds(h * HD + j * L, L)]
            for r in range(RB):
                ridx = jnp.full((L,), r, jnp.int32)
                dst[r, pl.ds(j * L, L)] = plsc.load_gather(src, [ridx, pvec])

    start_in(0, 0)
    start_in(1, 1)

    def pair_body(i, carry):
        for k in (0, 1):
            b = i * 2 + k
            wait_in(k)
            for h in (0, 1):
                @pl.when(b >= 1)
                def _():
                    wait_out(h)
                gather_half(ins[k], h)
                start_out(b, h)

            @pl.when(b + 2 < NBLK)
            def _():
                start_in(b + 2, k)
        return carry

    lax.fori_loop(0, NBLK // 2, pair_body, 0)
    wait_out(0)
    wait_out(1)


def kernel(x, perm):
    out = _permute(x, perm.astype(jnp.int32))
    return (out, 0.0)

# --- scband reference (transcript-rebuilt; emitter-appended) ---
"""Pipeline reference for scband-permutation-601295422124 (READ-ONLY COPY).

The authoritative reference and input builder live on the scoring server;
editing this copy changes nothing except your own understanding.
"""

import jax, jax.numpy as jnp
import numpy as np

DIM = 4096
ROWS = 8192

def setup_inputs(seed: int = 0) -> dict:
    key = jax.random.key(seed)
    kx, kp = jax.random.split(key)
    x = jax.random.normal(kx, (ROWS, DIM), dtype=jnp.float32)
    perm = jax.random.permutation(kp, DIM).astype(jnp.int64)
    return {"x": x, "perm": perm}

def reference(x, perm):
    # Faithful translation of Permutation.forward: column gather by fixed perm,
    # returns (permuted_x, 0.0) like the torch module (log-det term is 0.0).
    out = jnp.take(x, perm, axis=1)
    return (out, 0.0)

if __name__ == "__main__":
    import jax
    _d = setup_inputs()
    print(jax.jit(kernel)(*tuple(_d.values())))

</pallas_src>

<mosaic_0001>
#map = affine_map<(d0, d1) -> (0, 0)>
#map1 = affine_map<(d0, d1) -> (0)>
module attributes {stable_mosaic.version = 14 : i64} {
  func.func @_permute(%arg0: i32, %arg1: i32, %arg2: memref<8192x4096xf32, #tpu.memory_space<hbm>>, %arg3: memref<4096xi32, #tpu.memory_space<hbm>>, %arg4: memref<8192x4096xf32, #tpu.memory_space<hbm>>, %arg5: memref<4096xi32, #tpu.memory_space<vmem>>, %arg6: memref<8x4096xf32, #tpu.memory_space<vmem>>, %arg7: memref<8x4096xf32, #tpu.memory_space<vmem>>, %arg8: memref<8x2048xf32, #tpu.memory_space<vmem>>, %arg9: memref<8x2048xf32, #tpu.memory_space<vmem>>, %arg10: memref<!tpu.dma_semaphore, #tpu.memory_space<semaphore_mem>>, %arg11: memref<!tpu.dma_semaphore, #tpu.memory_space<semaphore_mem>>, %arg12: memref<!tpu.dma_semaphore, #tpu.memory_space<semaphore_mem>>, %arg13: memref<!tpu.dma_semaphore, #tpu.memory_space<semaphore_mem>>) attributes {dimension_semantics = [#tpu.dimension_semantics<core_parallel>, #tpu.dimension_semantics<subcore_parallel>], iteration_bounds = array<i64: 2, 16>, scalar_prefetch = 0 : i64, scratch_operands = 9 : i64, tpu.core_type = #tpu.core_type<sc_vector_subcore>, window_params = [{transform_indices = #map}, {transform_indices = #map1}, {transform_indices = #map}]} {
    %mul3A = arith.constant 2 : i32
    %mul3A_0 = arith.muli %arg1, %mul3A : i32
    %add3A = arith.addi %mul3A_0, %arg0 : i32
    %mul3A_1 = arith.constant 256 : i32
    %mul3A_2 = arith.muli %add3A, %mul3A_1 : i32
    "tpu.region"() ({
      %run_scoped3A = tpu.sem_alloc : memref<!tpu.dma_semaphore, #tpu.memory_space<semaphore_mem>>
      tpu.enqueue_dma source(%arg3 : memref<4096xi32, #tpu.memory_space<hbm>>) target(%arg5 : memref<4096xi32, #tpu.memory_space<vmem>>) target_semaphore(%run_scoped3A : memref<!tpu.dma_semaphore, #tpu.memory_space<semaphore_mem>>)
      tpu.wait_dma2 semaphore(%run_scoped3A : memref<!tpu.dma_semaphore, #tpu.memory_space<semaphore_mem>>) src(%arg3 : memref<4096xi32, #tpu.memory_space<hbm>>) dst(%arg5 : memref<4096xi32, #tpu.memory_space<vmem>>)
      tpu.yield
    }) : () -> ()
    %add3A_3 = arith.constant 0 : i32
    %add3A_4 = arith.addi %mul3A_2, %add3A_3 : i32
    %dma_start3A = arith.constant 0 : i32
    %dma_start3A_5 = tpu.memref_slice %arg2[%add3A_4, %dma_start3A] : memref<8192x4096xf32, #tpu.memory_space<hbm>> -> memref<8x4096xf32, #tpu.memory_space<hbm>>
    %dma_start3A_6 = arith.constant 0 : i32
    %dma_start3A_7 = tpu.memref_slice %arg2[%add3A_4, %dma_start3A_6] : memref<8192x4096xf32, #tpu.memory_space<hbm>> -> memref<8x4096xf32, #tpu.memory_space<hbm>>
    tpu.enqueue_dma source(%dma_start3A_7 : memref<8x4096xf32, #tpu.memory_space<hbm>>) target(%arg6 : memref<8x4096xf32, #tpu.memory_space<vmem>>) target_semaphore(%arg10 : memref<!tpu.dma_semaphore, #tpu.memory_space<semaphore_mem>>)
    %add3A_8 = arith.constant 8 : i32
    %add3A_9 = arith.addi %mul3A_2, %add3A_8 : i32
    %dma_start3A_10 = arith.constant 0 : i32
    %dma_start3A_11 = tpu.memref_slice %arg2[%add3A_9, %dma_start3A_10] : memref<8192x4096xf32, #tpu.memory_space<hbm>> -> memref<8x4096xf32, #tpu.memory_space<hbm>>
    %dma_start3A_12 = arith.constant 0 : i32
    %dma_start3A_13 = tpu.memref_slice %arg2[%add3A_9, %dma_start3A_12] : memref<8192x4096xf32, #tpu.memory_space<hbm>> -> memref<8x4096xf32, #tpu.memory_space<hbm>>
    tpu.enqueue_dma source(%dma_start3A_13 : memref<8x4096xf32, #tpu.memory_space<hbm>>) target(%arg7 : memref<8x4096xf32, #tpu.memory_space<vmem>>) target_semaphore(%arg11 : memref<!tpu.dma_semaphore, #tpu.memory_space<semaphore_mem>>)
    %scan3A = arith.constant 0 : i32
    %scan3A_14 = arith.constant 0 : i32
    %scan3A_15 = arith.constant 16 : i32
    %scan3A_16 = arith.addi %scan3A_14, %scan3A_15 : i32
    %scan3A_17 = arith.constant 1 : i32
    scf.for %scan3A_26 = %scan3A_14 to %scan3A_16 step %scan3A_17  : i32 {
      %mul3A_27 = arith.constant 2 : i32
      %mul3A_28 = arith.muli %scan3A_26, %mul3A_27 : i32
      %add3A_29 = arith.constant 0 : i32
      %add3A_30 = arith.addi %mul3A_28, %add3A_29 : i32
      %dma_wait3A_31 = arith.constant 0 : i32
      %dma_wait3A_32 = tpu.memref_slice %arg2[%mul3A_2, %dma_wait3A_31] : memref<8192x4096xf32, #tpu.memory_space<hbm>> -> memref<8x4096xf32, #tpu.memory_space<hbm>>
      %dma_wait3A_33 = arith.constant 0 : i32
      %dma_wait3A_34 = tpu.memref_slice %arg2[%mul3A_2, %dma_wait3A_33] : memref<8192x4096xf32, #tpu.memory_space<hbm>> -> memref<8x4096xf32, #tpu.memory_space<hbm>>
      tpu.wait_dma2 semaphore(%arg10 : memref<!tpu.dma_semaphore, #tpu.memory_space<semaphore_mem>>) src(%dma_wait3A_34 : memref<8x4096xf32, #tpu.memory_space<hbm>>) dst(%arg6 : memref<8x4096xf32, #tpu.memory_space<vmem>>)
      %ge3A = arith.constant 1 : i32
      %ge3A_35 = arith.cmpi sge, %add3A_30, %ge3A : i32
      %convert_element_type3A = arith.extui %ge3A_35 : i1 to i32
      %cond3A = arith.constant 0 : i32
      %cond3A_36 = arith.cmpi ne, %convert_element_type3A, %cond3A : i32
      scf.if %cond3A_36 {
        %dma_wait3A_112 = arith.constant 0 : i32
        %dma_wait3A_113 = tpu.memref_slice %arg4[%mul3A_2, %dma_wait3A_112] : memref<8192x4096xf32, #tpu.memory_space<hbm>> -> memref<8x2048xf32, #tpu.memory_space<hbm>>
        %dma_wait3A_114 = arith.constant 0 : i32
        %dma_wait3A_115 = tpu.memref_slice %arg4[%mul3A_2, %dma_wait3A_114] : memref<8192x4096xf32, #tpu.memory_space<hbm>> -> memref<8x2048xf32, #tpu.memory_space<hbm>>
        tpu.wait_dma2 semaphore(%arg12 : memref<!tpu.dma_semaphore, #tpu.memory_space<semaphore_mem>>) src(%arg8 : memref<8x2048xf32, #tpu.memory_space<vmem>>) dst(%dma_wait3A_115 : memref<8x2048xf32, #tpu.memory_space<hbm>>)
      } else {
      }
      %parallel_loop3A = arith.constant 0 : i32
      %parallel_loop3A_37 = arith.constant 128 : i32
      %parallel_loop3A_38 = arith.constant 1 : i32
      scf.for %parallel_loop3A_112 = %parallel_loop3A to %parallel_loop3A_37 step %parallel_loop3A_38  : i32 {
        %parallel_loop3A_113 = arith.constant 16 : i32
        %parallel_loop3A_114 = arith.muli %parallel_loop3A_112, %parallel_loop3A_113 : i32
        %parallel_loop3A_115 = arith.constant 0 : i32
        %parallel_loop3A_116 = arith.addi %parallel_loop3A_115, %parallel_loop3A_114 : i32
        %parallel_loop3A_117 = arith.index_cast %parallel_loop3A_116 : i32 to index
        %parallel_loop3A_118 = tpu.vector_load %arg5[%parallel_loop3A_117] {strides = array<i32>} : memref<4096xi32, #tpu.memory_space<vmem>>, vector<16xi32>,
        %parallel_loop3A_119 = arith.constant 0 : i32
        %parallel_loop3A_120 = vector.broadcast %parallel_loop3A_119 : i32 to vector<16xi32>
        %parallel_loop3A_121 = tpu.vector_load_idx %arg6[%parallel_loop3A_120, %parallel_loop3A_118] : memref<8x4096xf32, #tpu.memory_space<vmem>>[vector<16xi32>, vector<16xi32>], vector<16xf32>,
        %parallel_loop3A_122 = arith.constant 16 : i32
        %parallel_loop3A_123 = arith.muli %parallel_loop3A_112, %parallel_loop3A_122 : i32
        %parallel_loop3A_124 = arith.constant 0 : i32
        %parallel_loop3A_125 = arith.index_cast %parallel_loop3A_124 : i32 to index
        %parallel_loop3A_126 = arith.index_cast %parallel_loop3A_123 : i32 to index
        %parallel_loop3A_127 = tpu.vector_load %arg8[%parallel_loop3A_125, %parallel_loop3A_126] {strides = array<i32>} : memref<8x2048xf32, #tpu.memory_space<vmem>>, vector<16xf32>,
        tpu.vector_store %arg8[%parallel_loop3A_125, %parallel_loop3A_126], %parallel_loop3A_121 {strides = array<i32>} : memref<8x2048xf32, #tpu.memory_space<vmem>>, vector<16xf32>,
        %parallel_loop3A_128 = arith.constant 1 : i32
        %parallel_loop3A_129 = vector.broadcast %parallel_loop3A_128 : i32 to vector<16xi32>
        %parallel_loop3A_130 = tpu.vector_load_idx %arg6[%parallel_loop3A_129, %parallel_loop3A_118] : memref<8x4096xf32, #tpu.memory_space<vmem>>[vector<16xi32>, vector<16xi32>], vector<16xf32>,
        %parallel_loop3A_131 = arith.constant 16 : i32
        %parallel_loop3A_132 = arith.muli %parallel_loop3A_112, %parallel_loop3A_131 : i32
        %parallel_loop3A_133 = arith.constant 1 : i32
        %parallel_loop3A_134 = arith.index_cast %parallel_loop3A_133 : i32 to index
        %parallel_loop3A_135 = arith.index_cast %parallel_loop3A_132 : i32 to index
        %parallel_loop3A_136 = tpu.vector_load %arg8[%parallel_loop3A_134, %parallel_loop3A_135] {strides = array<i32>} : memref<8x2048xf32, #tpu.memory_space<vmem>>, vector<16xf32>,
        tpu.vector_store %arg8[%parallel_loop3A_134, %parallel_loop3A_135], %parallel_loop3A_130 {strides = array<i32>} : memref<8x2048xf32, #tpu.memory_space<vmem>>, vector<16xf32>,
        %parallel_loop3A_137 = arith.constant 2 : i32
        %parallel_loop3A_138 = vector.broadcast %parallel_loop3A_137 : i32 to vector<16xi32>
        %parallel_loop3A_139 = tpu.vector_load_idx %arg6[%parallel_loop3A_138, %parallel_loop3A_118] : memref<8x4096xf32, #tpu.memory_space<vmem>>[vector<16xi32>, vector<16xi32>], vector<16xf32>,
        %parallel_loop3A_140 = arith.constant 16 : i32
        %parallel_loop3A_141 = arith.muli %parallel_loop3A_112, %parallel_loop3A_140 : i32
        %parallel_loop3A_142 = arith.constant 2 : i32
        %parallel_loop3A_143 = arith.index_cast %parallel_loop3A_142 : i32 to index
        %parallel_loop3A_144 = arith.index_cast %parallel_loop3A_141 : i32 to index
        %parallel_loop3A_145 = tpu.vector_load %arg8[%parallel_loop3A_143, %parallel_loop3A_144] {strides = array<i32>} : memref<8x2048xf32, #tpu.memory_space<vmem>>, vector<16xf32>,
        tpu.vector_store %arg8[%parallel_loop3A_143, %parallel_loop3A_144], %parallel_loop3A_139 {strides = array<i32>} : memref<8x2048xf32, #tpu.memory_space<vmem>>, vector<16xf32>,
        %parallel_loop3A_146 = arith.constant 3 : i32
        %parallel_loop3A_147 = vector.broadcast %parallel_loop3A_146 : i32 to vector<16xi32>
        %parallel_loop3A_148 = tpu.vector_load_idx %arg6[%parallel_loop3A_147, %parallel_loop3A_118] : memref<8x4096xf32, #tpu.memory_space<vmem>>[vector<16xi32>, vector<16xi32>], vector<16xf32>,
        %parallel_loop3A_149 = arith.constant 16 : i32
        %parallel_loop3A_150 = arith.muli %parallel_loop3A_112, %parallel_loop3A_149 : i32
        %parallel_loop3A_151 = arith.constant 3 : i32
        %parallel_loop3A_152 = arith.index_cast %parallel_loop3A_151 : i32 to index
        %parallel_loop3A_153 = arith.index_cast %parallel_loop3A_150 : i32 to index
        %parallel_loop3A_154 = tpu.vector_load %arg8[%parallel_loop3A_152, %parallel_loop3A_153] {strides = array<i32>} : memref<8x2048xf32, #tpu.memory_space<vmem>>, vector<16xf32>,
        tpu.vector_store %arg8[%parallel_loop3A_152, %parallel_loop3A_153], %parallel_loop3A_148 {strides = array<i32>} : memref<8x2048xf32, #tpu.memory_space<vmem>>, vector<16xf32>,
        %parallel_loop3A_155 = arith.constant 4 : i32
        %parallel_loop3A_156 = vector.broadcast %parallel_loop3A_155 : i32 to vector<16xi32>
        %parallel_loop3A_157 = tpu.vector_load_idx %arg6[%parallel_loop3A_156, %parallel_loop3A_118] : memref<8x4096xf32, #tpu.memory_space<vmem>>[vector<16xi32>, vector<16xi32>], vector<16xf32>,
        %parallel_loop3A_158 = arith.constant 16 : i32
        %parallel_loop3A_159 = arith.muli %parallel_loop3A_112, %parallel_loop3A_158 : i32
        %parallel_loop3A_160 = arith.constant 4 : i32
        %parallel_loop3A_161 = arith.index_cast %parallel_loop3A_160 : i32 to index
        %parallel_loop3A_162 = arith.index_cast %parallel_loop3A_159 : i32 to index
        %parallel_loop3A_163 = tpu.vector_load %arg8[%parallel_loop3A_161, %parallel_loop3A_162] {strides = array<i32>} : memref<8x2048xf32, #tpu.memory_space<vmem>>, vector<16xf32>,
        tpu.vector_store %arg8[%parallel_loop3A_161, %parallel_loop3A_162], %parallel_loop3A_157 {strides = array<i32>} : memref<8x2048xf32, #tpu.memory_space<vmem>>, vector<16xf32>,
        %parallel_loop3A_164 = arith.constant 5 : i32
        %parallel_loop3A_165 = vector.broadcast %parallel_loop3A_164 : i32 to vector<16xi32>
        %parallel_loop3A_166 = tpu.vector_load_idx %arg6[%parallel_loop3A_165, %parallel_loop3A_118] : memref<8x4096xf32, #tpu.memory_space<vmem>>[vector<16xi32>, vector<16xi32>], vector<16xf32>,
        %parallel_loop3A_167 = arith.constant 16 : i32
        %parallel_loop3A_168 = arith.muli %parallel_loop3A_112, %parallel_loop3A_167 : i32
        %parallel_loop3A_169 = arith.constant 5 : i32
        %parallel_loop3A_170 = arith.index_cast %parallel_loop3A_169 : i32 to index
        %parallel_loop3A_171 = arith.index_cast %parallel_loop3A_168 : i32 to index
        %parallel_loop3A_172 = tpu.vector_load %arg8[%parallel_loop3A_170, %parallel_loop3A_171] {strides = array<i32>} : memref<8x2048xf32, #tpu.memory_space<vmem>>, vector<16xf32>,
        tpu.vector_store %arg8[%parallel_loop3A_170, %parallel_loop3A_171], %parallel_loop3A_166 {strides = array<i32>} : memref<8x2048xf32, #tpu.memory_space<vmem>>, vector<16xf32>,
        %parallel_loop3A_173 = arith.constant 6 : i32
        %parallel_loop3A_174 = vector.broadcast %parallel_loop3A_173 : i32 to vector<16xi32>
        %parallel_loop3A_175 = tpu.vector_load_idx %arg6[%parallel_loop3A_174, %parallel_loop3A_118] : memref<8x4096xf32, #tpu.memory_space<vmem>>[vector<16xi32>, vector<16xi32>], vector<16xf32>,
        %parallel_loop3A_176 = arith.constant 16 : i32
        %parallel_loop3A_177 = arith.muli %parallel_loop3A_112, %parallel_loop3A_176 : i32
        %parallel_loop3A_178 = arith.constant 6 : i32
        %parallel_loop3A_179 = arith.index_cast %parallel_loop3A_178 : i32 to index
        %parallel_loop3A_180 = arith.index_cast %parallel_loop3A_177 : i32 to index
        %parallel_loop3A_181 = tpu.vector_load %arg8[%parallel_loop3A_179, %parallel_loop3A_180] {strides = array<i32>} : memref<8x2048xf32, #tpu.memory_space<vmem>>, vector<16xf32>,
        tpu.vector_store %arg8[%parallel_loop3A_179, %parallel_loop3A_180], %parallel_loop3A_175 {strides = array<i32>} : memref<8x2048xf32, #tpu.memory_space<vmem>>, vector<16xf32>,
        %parallel_loop3A_182 = arith.constant 7 : i32
        %parallel_loop3A_183 = vector.broadcast %parallel_loop3A_182 : i32 to vector<16xi32>
        %parallel_loop3A_184 = tpu.vector_load_idx %arg6[%parallel_loop3A_183, %parallel_loop3A_118] : memref<8x4096xf32, #tpu.memory_space<vmem>>[vector<16xi32>, vector<16xi32>], vector<16xf32>,
        %parallel_loop3A_185 = arith.constant 16 : i32
        %parallel_loop3A_186 = arith.muli %parallel_loop3A_112, %parallel_loop3A_185 : i32
        %parallel_loop3A_187 = arith.constant 7 : i32
        %parallel_loop3A_188 = arith.index_cast %parallel_loop3A_187 : i32 to index
        %parallel_loop3A_189 = arith.index_cast %parallel_loop3A_186 : i32 to index
        %parallel_loop3A_190 = tpu.vector_load %arg8[%parallel_loop3A_188, %parallel_loop3A_189] {strides = array<i32>} : memref<8x2048xf32, #tpu.memory_space<vmem>>, vector<16xf32>,
        tpu.vector_store %arg8[%parallel_loop3A_188, %parallel_loop3A_189], %parallel_loop3A_184 {strides = array<i32>} : memref<8x2048xf32, #tpu.memory_space<vmem>>, vector<16xf32>,
      } {sc.loop_unroll_factor = 4 : i64, sc.parallel_access}
      %mul3A_39 = arith.constant 8 : i32
      %mul3A_40 = arith.muli %add3A_30, %mul3A_39 : i32
      %add3A_41 = arith.addi %mul3A_2, %mul3A_40 : i32
      %dma_start3A_42 = arith.constant 0 : i32
      %dma_start3A_43 = tpu.memref_slice %arg4[%add3A_41, %dma_start3A_42] : memref<8192x4096xf32, #tpu.memory_space<hbm>> -> memref<8x2048xf32, #tpu.memory_space<hbm>>
      %dma_start3A_44 = arith.constant 0 : i32
      %dma_start3A_45 = tpu.memref_slice %arg4[%add3A_41, %dma_start3A_44] : memref<8192x4096xf32, #tpu.memory_space<hbm>> -> memref<8x2048xf32, #tpu.memory_space<hbm>>
      tpu.enqueue_dma source(%arg8 : memref<8x2048xf32, #tpu.memory_space<vmem>>) target(%dma_start3A_45 : memref<8x2048xf32, #tpu.memory_space<hbm>>) target_semaphore(%arg12 : memref<!tpu.dma_semaphore, #tpu.memory_space<semaphore_mem>>)
      %ge3A_46 = arith.constant 1 : i32
      %ge3A_47 = arith.cmpi sge, %add3A_30, %ge3A_46 : i32
      %convert_element_type3A_48 = arith.extui %ge3A_47 : i1 to i32
      %cond3A_49 = arith.constant 0 : i32
      %cond3A_50 = arith.cmpi ne, %convert_element_type3A_48, %cond3A_49 : i32
      scf.if %cond3A_50 {
        %dma_wait3A_112 = arith.constant 0 : i32
        %dma_wait3A_113 = tpu.memref_slice %arg4[%mul3A_2, %dma_wait3A_112] : memref<8192x4096xf32, #tpu.memory_space<hbm>> -> memref<8x2048xf32, #tpu.memory_space<hbm>>
        %dma_wait3A_114 = arith.constant 0 : i32
        %dma_wait3A_115 = tpu.memref_slice %arg4[%mul3A_2, %dma_wait3A_114] : memref<8192x4096xf32, #tpu.memory_space<hbm>> -> memref<8x2048xf32, #tpu.memory_space<hbm>>
        tpu.wait_dma2 semaphore(%arg13 : memref<!tpu.dma_semaphore, #tpu.memory_space<semaphore_mem>>) src(%arg9 : memref<8x2048xf32, #tpu.memory_space<vmem>>) dst(%dma_wait3A_115 : memref<8x2048xf32, #tpu.memory_space<hbm>>)
      } else {
      }
      %parallel_loop3A_51 = arith.constant 0 : i32
      %parallel_loop3A_52 = arith.constant 128 : i32
      %parallel_loop3A_53 = arith.constant 1 : i32
      scf.for %parallel_loop3A_112 = %parallel_loop3A_51 to %parallel_loop3A_52 step %parallel_loop3A_53  : i32 {
        %parallel_loop3A_113 = arith.constant 16 : i32
        %parallel_loop3A_114 = arith.muli %parallel_loop3A_112, %parallel_loop3A_113 : i32
        %parallel_loop3A_115 = arith.constant 2048 : i32
        %parallel_loop3A_116 = arith.addi %parallel_loop3A_115, %parallel_loop3A_114 : i32
        %parallel_loop3A_117 = arith.index_cast %parallel_loop3A_116 : i32 to index
        %parallel_loop3A_118 = tpu.vector_load %arg5[%parallel_loop3A_117] {strides = array<i32>} : memref<4096xi32, #tpu.memory_space<vmem>>, vector<16xi32>,
        %parallel_loop3A_119 = arith.constant 0 : i32
        %parallel_loop3A_120 = vector.broadcast %parallel_loop3A_119 : i32 to vector<16xi32>
        %parallel_loop3A_121 = tpu.vector_load_idx %arg6[%parallel_loop3A_120, %parallel_loop3A_118] : memref<8x4096xf32, #tpu.memory_space<vmem>>[vector<16xi32>, vector<16xi32>], vector<16xf32>,
        %parallel_loop3A_122 = arith.constant 16 : i32
        %parallel_loop3A_123 = arith.muli %parallel_loop3A_112, %parallel_loop3A_122 : i32
        %parallel_loop3A_124 = arith.constant 0 : i32
        %parallel_loop3A_125 = arith.index_cast %parallel_loop3A_124 : i32 to index
        %parallel_loop3A_126 = arith.index_cast %parallel_loop3A_123 : i32 to index
        %parallel_loop3A_127 = tpu.vector_load %arg9[%parallel_loop3A_125, %parallel_loop3A_126] {strides = array<i32>} : memref<8x2048xf32, #tpu.memory_space<vmem>>, vector<16xf32>,
        tpu.vector_store %arg9[%parallel_loop3A_125, %parallel_loop3A_126], %parallel_loop3A_121 {strides = array<i32>} : memref<8x2048xf32, #tpu.memory_space<vmem>>, vector<16xf32>,
        %parallel_loop3A_128 = arith.constant 1 : i32
        %parallel_loop3A_129 = vector.broadcast %parallel_loop3A_128 : i32 to vector<16xi32>
        %parallel_loop3A_130 = tpu.vector_load_idx %arg6[%parallel_loop3A_129, %parallel_loop3A_118] : memref<8x4096xf32, #tpu.memory_space<vmem>>[vector<16xi32>, vector<16xi32>], vector<16xf32>,
        %parallel_loop3A_131 = arith.constant 16 : i32
        %parallel_loop3A_132 = arith.muli %parallel_loop3A_112, %parallel_loop3A_131 : i32
        %parallel_loop3A_133 = arith.constant 1 : i32
        %parallel_loop3A_134 = arith.index_cast %parallel_loop3A_133 : i32 to index
        %parallel_loop3A_135 = arith.index_cast %parallel_loop3A_132 : i32 to index
        %parallel_loop3A_136 = tpu.vector_load %arg9[%parallel_loop3A_134, %parallel_loop3A_135] {strides = array<i32>} : memref<8x2048xf32, #tpu.memory_space<vmem>>, vector<16xf32>,
        tpu.vector_store %arg9[%parallel_loop3A_134, %parallel_loop3A_135], %parallel_loop3A_130 {strides = array<i32>} : memref<8x2048xf32, #tpu.memory_space<vmem>>, vector<16xf32>,
        %parallel_loop3A_137 = arith.constant 2 : i32
        %parallel_loop3A_138 = vector.broadcast %parallel_loop3A_137 : i32 to vector<16xi32>
        %parallel_loop3A_139 = tpu.vector_load_idx %arg6[%parallel_loop3A_138, %parallel_loop3A_118] : memref<8x4096xf32, #tpu.memory_space<vmem>>[vector<16xi32>, vector<16xi32>], vector<16xf32>,
        %parallel_loop3A_140 = arith.constant 16 : i32
        %parallel_loop3A_141 = arith.muli %parallel_loop3A_112, %parallel_loop3A_140 : i32
        %parallel_loop3A_142 = arith.constant 2 : i32
        %parallel_loop3A_143 = arith.index_cast %parallel_loop3A_142 : i32 to index
        %parallel_loop3A_144 = arith.index_cast %parallel_loop3A_141 : i32 to index
        %parallel_loop3A_145 = tpu.vector_load %arg9[%parallel_loop3A_143, %parallel_loop3A_144] {strides = array<i32>} : memref<8x2048xf32, #tpu.memory_space<vmem>>, vector<16xf32>,
        tpu.vector_store %arg9[%parallel_loop3A_143, %parallel_loop3A_144], %parallel_loop3A_139 {strides = array<i32>} : memref<8x2048xf32, #tpu.memory_space<vmem>>, vector<16xf32>,
        %parallel_loop3A_146 = arith.constant 3 : i32
        %parallel_loop3A_147 = vector.broadcast %parallel_loop3A_146 : i32 to vector<16xi32>
        %parallel_loop3A_148 = tpu.vector_load_idx %arg6[%parallel_loop3A_147, %parallel_loop3A_118] : memref<8x4096xf32, #tpu.memory_space<vmem>>[vector<16xi32>, vector<16xi32>], vector<16xf32>,
        %parallel_loop3A_149 = arith.constant 16 : i32
        %parallel_loop3A_150 = arith.muli %parallel_loop3A_112, %parallel_loop3A_149 : i32
        %parallel_loop3A_151 = arith.constant 3 : i32
        %parallel_loop3A_152 = arith.index_cast %parallel_loop3A_151 : i32 to index
        %parallel_loop3A_153 = arith.index_cast %parallel_loop3A_150 : i32 to index
        %parallel_loop3A_154 = tpu.vector_load %arg9[%parallel_loop3A_152, %parallel_loop3A_153] {strides = array<i32>} : memref<8x2048xf32, #tpu.memory_space<vmem>>, vector<16xf32>,
        tpu.vector_store %arg9[%parallel_loop3A_152, %parallel_loop3A_153], %parallel_loop3A_148 {strides = array<i32>} : memref<8x2048xf32, #tpu.memory_space<vmem>>, vector<16xf32>,
        %parallel_loop3A_155 = arith.constant 4 : i32
        %parallel_loop3A_156 = vector.broadcast %parallel_loop3A_155 : i32 to vector<16xi32>
        %parallel_loop3A_157 = tpu.vector_load_idx %arg6[%parallel_loop3A_156, %parallel_loop3A_118] : memref<8x4096xf32, #tpu.memory_space<vmem>>[vector<16xi32>, vector<16xi32>], vector<16xf32>,
        %parallel_loop3A_158 = arith.constant 16 : i32
        %parallel_loop3A_159 = arith.muli %parallel_loop3A_112, %parallel_loop3A_158 : i32
        %parallel_loop3A_160 = arith.constant 4 : i32
        %parallel_loop3A_161 = arith.index_cast %parallel_loop3A_160 : i32 to index
        %parallel_loop3A_162 = arith.index_cast %parallel_loop3A_159 : i32 to index
        %parallel_loop3A_163 = tpu.vector_load %arg9[%parallel_loop3A_161, %parallel_loop3A_162] {strides = array<i32>} : memref<8x2048xf32, #tpu.memory_space<vmem>>, vector<16xf32>,
        tpu.vector_store %arg9[%parallel_loop3A_161, %parallel_loop3A_162], %parallel_loop3A_157 {strides = array<i32>} : memref<8x2048xf32, #tpu.memory_space<vmem>>, vector<16xf32>,
        %parallel_loop3A_164 = arith.constant 5 : i32
        %parallel_loop3A_165 = vector.broadcast %parallel_loop3A_164 : i32 to vector<16xi32>
        %parallel_loop3A_166 = tpu.vector_load_idx %arg6[%parallel_loop3A_165, %parallel_loop3A_118] : memref<8x4096xf32, #tpu.memory_space<vmem>>[vector<16xi32>, vector<16xi32>], vector<16xf32>,
        %parallel_loop3A_167 = arith.constant 16 : i32
        %parallel_loop3A_168 = arith.muli %parallel_loop3A_112, %parallel_loop3A_167 : i32
        %parallel_loop3A_169 = arith.constant 5 : i32
        %parallel_loop3A_170 = arith.index_cast %parallel_loop3A_169 : i32 to index
        %parallel_loop3A_171 = arith.index_cast %parallel_loop3A_168 : i32 to index
        %parallel_loop3A_172 = tpu.vector_load %arg9[%parallel_loop3A_170, %parallel_loop3A_171] {strides = array<i32>} : memref<8x2048xf32, #tpu.memory_space<vmem>>, vector<16xf32>,
        tpu.vector_store %arg9[%parallel_loop3A_170, %parallel_loop3A_171], %parallel_loop3A_166 {strides = array<i32>} : memref<8x2048xf32, #tpu.memory_space<vmem>>, vector<16xf32>,
        %parallel_loop3A_173 = arith.constant 6 : i32
        %parallel_loop3A_174 = vector.broadcast %parallel_loop3A_173 : i32 to vector<16xi32>
        %parallel_loop3A_175 = tpu.vector_load_idx %arg6[%parallel_loop3A_174, %parallel_loop3A_118] : memref<8x4096xf32, #tpu.memory_space<vmem>>[vector<16xi32>, vector<16xi32>], vector<16xf32>,
        %parallel_loop3A_176 = arith.constant 16 : i32
        %parallel_loop3A_177 = arith.muli %parallel_loop3A_112, %parallel_loop3A_176 : i32
        %parallel_loop3A_178 = arith.constant 6 : i32
        %parallel_loop3A_179 = arith.index_cast %parallel_loop3A_178 : i32 to index
        %parallel_loop3A_180 = arith.index_cast %parallel_loop3A_177 : i32 to index
        %parallel_loop3A_181 = tpu.vector_load %arg9[%parallel_loop3A_179, %parallel_loop3A_180] {strides = array<i32>} : memref<8x2048xf32, #tpu.memory_space<vmem>>, vector<16xf32>,
        tpu.vector_store %arg9[%parallel_loop3A_179, %parallel_loop3A_180], %parallel_loop3A_175 {strides = array<i32>} : memref<8x2048xf32, #tpu.memory_space<vmem>>, vector<16xf32>,
        %parallel_loop3A_182 = arith.constant 7 : i32
        %parallel_loop3A_183 = vector.broadcast %parallel_loop3A_182 : i32 to vector<16xi32>
        %parallel_loop3A_184 = tpu.vector_load_idx %arg6[%parallel_loop3A_183, %parallel_loop3A_118] : memref<8x4096xf32, #tpu.memory_space<vmem>>[vector<16xi32>, vector<16xi32>], vector<16xf32>,
        %parallel_loop3A_185 = arith.constant 16 : i32
        %parallel_loop3A_186 = arith.muli %parallel_loop3A_112, %parallel_loop3A_185 : i32
        %parallel_loop3A_187 = arith.constant 7 : i32
        %parallel_loop3A_188 = arith.index_cast %parallel_loop3A_187 : i32 to index
        %parallel_loop3A_189 = arith.index_cast %parallel_loop3A_186 : i32 to index
        %parallel_loop3A_190 = tpu.vector_load %arg9[%parallel_loop3A_188, %parallel_loop3A_189] {strides = array<i32>} : memref<8x2048xf32, #tpu.memory_space<vmem>>, vector<16xf32>,
        tpu.vector_store %arg9[%parallel_loop3A_188, %parallel_loop3A_189], %parallel_loop3A_184 {strides = array<i32>} : memref<8x2048xf32, #tpu.memory_space<vmem>>, vector<16xf32>,
      } {sc.loop_unroll_factor = 4 : i64, sc.parallel_access}
      %mul3A_54 = arith.constant 8 : i32
      %mul3A_55 = arith.muli %add3A_30, %mul3A_54 : i32
      %add3A_56 = arith.addi %mul3A_2, %mul3A_55 : i32
      %dma_start3A_57 = arith.constant 2048 : i32
      %dma_start3A_58 = tpu.memref_slice %arg4[%add3A_56, %dma_start3A_57] : memref<8192x4096xf32, #tpu.memory_space<hbm>> -> memref<8x2048xf32, #tpu.memory_space<hbm>>
      %dma_start3A_59 = arith.constant 2048 : i32
      %dma_start3A_60 = tpu.memref_slice %arg4[%add3A_56, %dma_start3A_59] : memref<8192x4096xf32, #tpu.memory_space<hbm>> -> memref<8x2048xf32, #tpu.memory_space<hbm>>
      tpu.enqueue_dma source(%arg9 : memref<8x2048xf32, #tpu.memory_space<vmem>>) target(%dma_start3A_60 : memref<8x2048xf32, #tpu.memory_space<hbm>>) target_semaphore(%arg13 : memref<!tpu.dma_semaphore, #tpu.memory_space<semaphore_mem>>)
      %add3A_61 = arith.constant 2 : i32
      %add3A_62 = arith.addi %add3A_30, %add3A_61 : i32
      %lt3A = arith.constant 32 : i32
      %lt3A_63 = arith.cmpi slt, %add3A_62, %lt3A : i32
      %convert_element_type3A_64 = arith.extui %lt3A_63 : i1 to i32
      %cond3A_65 = arith.constant 0 : i32
      %cond3A_66 = arith.cmpi ne, %convert_element_type3A_64, %cond3A_65 : i32
      scf.if %cond3A_66 {
        %add3A_112 = arith.constant 2 : i32
        %add3A_113 = arith.addi %add3A_30, %add3A_112 : i32
        %mul3A_114 = arith.constant 8 : i32
        %mul3A_115 = arith.muli %add3A_113, %mul3A_114 : i32
        %add3A_116 = arith.addi %mul3A_2, %mul3A_115 : i32
        %dma_start3A_117 = arith.constant 0 : i32
        %dma_start3A_118 = tpu.memref_slice %arg2[%add3A_116, %dma_start3A_117] : memref<8192x4096xf32, #tpu.memory_space<hbm>> -> memref<8x4096xf32, #tpu.memory_space<hbm>>
        %dma_start3A_119 = arith.constant 0 : i32
        %dma_start3A_120 = tpu.memref_slice %arg2[%add3A_116, %dma_start3A_119] : memref<8192x4096xf32, #tpu.memory_space<hbm>> -> memref<8x4096xf32, #tpu.memory_space<hbm>>
        tpu.enqueue_dma source(%dma_start3A_120 : memref<8x4096xf32, #tpu.memory_space<hbm>>) target(%arg6 : memref<8x4096xf32, #tpu.memory_space<vmem>>) target_semaphore(%arg10 : memref<!tpu.dma_semaphore, #tpu.memory_space<semaphore_mem>>)
      } else {
      }
      %mul3A_67 = arith.constant 2 : i32
      %mul3A_68 = arith.muli %scan3A_26, %mul3A_67 : i32
      %add3A_69 = arith.constant 1 : i32
      %add3A_70 = arith.addi %mul3A_68, %add3A_69 : i32
      %dma_wait3A_71 = arith.constant 0 : i32
      %dma_wait3A_72 = tpu.memref_slice %arg2[%mul3A_2, %dma_wait3A_71] : memref<8192x4096xf32, #tpu.memory_space<hbm>> -> memref<8x4096xf32, #tpu.memory_space<hbm>>
      %dma_wait3A_73 = arith.constant 0 : i32
      %dma_wait3A_74 = tpu.memref_slice %arg2[%mul3A_2, %dma_wait3A_73] : memref<8192x4096xf32, #tpu.memory_space<hbm>> -> memref<8x4096xf32, #tpu.memory_space<hbm>>
      tpu.wait_dma2 semaphore(%arg11 : memref<!tpu.dma_semaphore, #tpu.memory_space<semaphore_mem>>) src(%dma_wait3A_74 : memref<8x4096xf32, #tpu.memory_space<hbm>>) dst(%arg7 : memref<8x4096xf32, #tpu.memory_space<vmem>>)
      %ge3A_75 = arith.constant 1 : i32
      %ge3A_76 = arith.cmpi sge, %add3A_70, %ge3A_75 : i32
      %convert_element_type3A_77 = arith.extui %ge3A_76 : i1 to i32
      %cond3A_78 = arith.constant 0 : i32
      %cond3A_79 = arith.cmpi ne, %convert_element_type3A_77, %cond3A_78 : i32
      scf.if %cond3A_79 {
        %dma_wait3A_112 = arith.constant 0 : i32
        %dma_wait3A_113 = tpu.memref_slice %arg4[%mul3A_2, %dma_wait3A_112] : memref<8192x4096xf32, #tpu.memory_space<hbm>> -> memref<8x2048xf32, #tpu.memory_space<hbm>>
        %dma_wait3A_114 = arith.constant 0 : i32
        %dma_wait3A_115 = tpu.memref_slice %arg4[%mul3A_2, %dma_wait3A_114] : memref<8192x4096xf32, #tpu.memory_space<hbm>> -> memref<8x2048xf32, #tpu.memory_space<hbm>>
        tpu.wait_dma2 semaphore(%arg12 : memref<!tpu.dma_semaphore, #tpu.memory_space<semaphore_mem>>) src(%arg8 : memref<8x2048xf32, #tpu.memory_space<vmem>>) dst(%dma_wait3A_115 : memref<8x2048xf32, #tpu.memory_space<hbm>>)
      } else {
      }
      %parallel_loop3A_80 = arith.constant 0 : i32
      %parallel_loop3A_81 = arith.constant 128 : i32
      %parallel_loop3A_82 = arith.constant 1 : i32
      scf.for %parallel_loop3A_112 = %parallel_loop3A_80 to %parallel_loop3A_81 step %parallel_loop3A_82  : i32 {
        %parallel_loop3A_113 = arith.constant 16 : i32
        %parallel_loop3A_114 = arith.muli %parallel_loop3A_112, %parallel_loop3A_113 : i32
        %parallel_loop3A_115 = arith.constant 0 : i32
        %parallel_loop3A_116 = arith.addi %parallel_loop3A_115, %parallel_loop3A_114 : i32
        %parallel_loop3A_117 = arith.index_cast %parallel_loop3A_116 : i32 to index
        %parallel_loop3A_118 = tpu.vector_load %arg5[%parallel_loop3A_117] {strides = array<i32>} : memref<4096xi32, #tpu.memory_space<vmem>>, vector<16xi32>,
        %parallel_loop3A_119 = arith.constant 0 : i32
        %parallel_loop3A_120 = vector.broadcast %parallel_loop3A_119 : i32 to vector<16xi32>
        %parallel_loop3A_121 = tpu.vector_load_idx %arg7[%parallel_loop3A_120, %parallel_loop3A_118] : memref<8x4096xf32, #tpu.memory_space<vmem>>[vector<16xi32>, vector<16xi32>], vector<16xf32>,
        %parallel_loop3A_122 = arith.constant 16 : i32
        %parallel_loop3A_123 = arith.muli %parallel_loop3A_112, %parallel_loop3A_122 : i32
        %parallel_loop3A_124 = arith.constant 0 : i32
        %parallel_loop3A_125 = arith.index_cast %parallel_loop3A_124 : i32 to index
        %parallel_loop3A_126 = arith.index_cast %parallel_loop3A_123 : i32 to index
        %parallel_loop3A_127 = tpu.vector_load %arg8[%parallel_loop3A_125, %parallel_loop3A_126] {strides = array<i32>} : memref<8x2048xf32, #tpu.memory_space<vmem>>, vector<16xf32>,
        tpu.vector_store %arg8[%parallel_loop3A_125, %parallel_loop3A_126], %parallel_loop3A_121 {strides = array<i32>} : memref<8x2048xf32, #tpu.memory_space<vmem>>, vector<16xf32>,
        %parallel_loop3A_128 = arith.constant 1 : i32
        %parallel_loop3A_129 = vector.broadcast %parallel_loop3A_128 : i32 to vector<16xi32>
        %parallel_loop3A_130 = tpu.vector_load_idx %arg7[%parallel_loop3A_129, %parallel_loop3A_118] : memref<8x4096xf32, #tpu.memory_space<vmem>>[vector<16xi32>, vector<16xi32>], vector<16xf32>,
        %parallel_loop3A_131 = arith.constant 16 : i32
        %parallel_loop3A_132 = arith.muli %parallel_loop3A_112, %parallel_loop3A_131 : i32
        %parallel_loop3A_133 = arith.constant 1 : i32
        %parallel_loop3A_134 = arith.index_cast %parallel_loop3A_133 : i32 to index
        %parallel_loop3A_135 = arith.index_cast %parallel_loop3A_132 : i32 to index
        %parallel_loop3A_136 = tpu.vector_load %arg8[%parallel_loop3A_134, %parallel_loop3A_135] {strides = array<i32>} : memref<8x2048xf32, #tpu.memory_space<vmem>>, vector<16xf32>,
        tpu.vector_store %arg8[%parallel_loop3A_134, %parallel_loop3A_135], %parallel_loop3A_130 {strides = array<i32>} : memref<8x2048xf32, #tpu.memory_space<vmem>>, vector<16xf32>,
        %parallel_loop3A_137 = arith.constant 2 : i32
        %parallel_loop3A_138 = vector.broadcast %parallel_loop3A_137 : i32 to vector<16xi32>
        %parallel_loop3A_139 = tpu.vector_load_idx %arg7[%parallel_loop3A_138, %parallel_loop3A_118] : memref<8x4096xf32, #tpu.memory_space<vmem>>[vector<16xi32>, vector<16xi32>], vector<16xf32>,
        %parallel_loop3A_140 = arith.constant 16 : i32
        %parallel_loop3A_141 = arith.muli %parallel_loop3A_112, %parallel_loop3A_140 : i32
        %parallel_loop3A_142 = arith.constant 2 : i32
        %parallel_loop3A_143 = arith.index_cast %parallel_loop3A_142 : i32 to index
        %parallel_loop3A_144 = arith.index_cast %parallel_loop3A_141 : i32 to index
        %parallel_loop3A_145 = tpu.vector_load %arg8[%parallel_loop3A_143, %parallel_loop3A_144] {strides = array<i32>} : memref<8x2048xf32, #tpu.memory_space<vmem>>, vector<16xf32>,
        tpu.vector_store %arg8[%parallel_loop3A_143, %parallel_loop3A_144], %parallel_loop3A_139 {strides = array<i32>} : memref<8x2048xf32, #tpu.memory_space<vmem>>, vector<16xf32>,
        %parallel_loop3A_146 = arith.constant 3 : i32
        %parallel_loop3A_147 = vector.broadcast %parallel_loop3A_146 : i32 to vector<16xi32>
        %parallel_loop3A_148 = tpu.vector_load_idx %arg7[%parallel_loop3A_147, %parallel_loop3A_118] : memref<8x4096xf32, #tpu.memory_space<vmem>>[vector<16xi32>, vector<16xi32>], vector<16xf32>,
        %parallel_loop3A_149 = arith.constant 16 : i32
        %parallel_loop3A_150 = arith.muli %parallel_loop3A_112, %parallel_loop3A_149 : i32
        %parallel_loop3A_151 = arith.constant 3 : i32
        %parallel_loop3A_152 = arith.index_cast %parallel_loop3A_151 : i32 to index
        %parallel_loop3A_153 = arith.index_cast %parallel_loop3A_150 : i32 to index
        %parallel_loop3A_154 = tpu.vector_load %arg8[%parallel_loop3A_152, %parallel_loop3A_153] {strides = array<i32>} : memref<8x2048xf32, #tpu.memory_space<vmem>>, vector<16xf32>,
        tpu.vector_store %arg8[%parallel_loop3A_152, %parallel_loop3A_153], %parallel_loop3A_148 {strides = array<i32>} : memref<8x2048xf32, #tpu.memory_space<vmem>>, vector<16xf32>,
        %parallel_loop3A_155 = arith.constant 4 : i32
        %parallel_loop3A_156 = vector.broadcast %parallel_loop3A_155 : i32 to vector<16xi32>
        %parallel_loop3A_157 = tpu.vector_load_idx %arg7[%parallel_loop3A_156, %parallel_loop3A_118] : memref<8x4096xf32, #tpu.memory_space<vmem>>[vector<16xi32>, vector<16xi32>], vector<16xf32>,
        %parallel_loop3A_158 = arith.constant 16 : i32
        %parallel_loop3A_159 = arith.muli %parallel_loop3A_112, %parallel_loop3A_158 : i32
        %parallel_loop3A_160 = arith.constant 4 : i32
        %parallel_loop3A_161 = arith.index_cast %parallel_loop3A_160 : i32 to index
        %parallel_loop3A_162 = arith.index_cast %parallel_loop3A_159 : i32 to index
        %parallel_loop3A_163 = tpu.vector_load %arg8[%parallel_loop3A_161, %parallel_loop3A_162] {strides = array<i32>} : memref<8x2048xf32, #tpu.memory_space<vmem>>, vector<16xf32>,
        tpu.vector_store %arg8[%parallel_loop3A_161, %parallel_loop3A_162], %parallel_loop3A_157 {strides = array<i32>} : memref<8x2048xf32, #tpu.memory_space<vmem>>, vector<16xf32>,
        %parallel_loop3A_164 = arith.constant 5 : i32
        %parallel_loop3A_165 = vector.broadcast %parallel_loop3A_164 : i32 to vector<16xi32>
        %parallel_loop3A_166 = tpu.vector_load_idx %arg7[%parallel_loop3A_165, %parallel_loop3A_118] : memref<8x4096xf32, #tpu.memory_space<vmem>>[vector<16xi32>, vector<16xi32>], vector<16xf32>,
        %parallel_loop3A_167 = arith.constant 16 : i32
        %parallel_loop3A_168 = arith.muli %parallel_loop3A_112, %parallel_loop3A_167 : i32
        %parallel_loop3A_169 = arith.constant 5 : i32
        %parallel_loop3A_170 = arith.index_cast %parallel_loop3A_169 : i32 to index
        %parallel_loop3A_171 = arith.index_cast %parallel_loop3A_168 : i32 to index
        %parallel_loop3A_172 = tpu.vector_load %arg8[%parallel_loop3A_170, %parallel_loop3A_171] {strides = array<i32>} : memref<8x2048xf32, #tpu.memory_space<vmem>>, vector<16xf32>,
        tpu.vector_store %arg8[%parallel_loop3A_170, %parallel_loop3A_171], %parallel_loop3A_166 {strides = array<i32>} : memref<8x2048xf32, #tpu.memory_space<vmem>>, vector<16xf32>,
        %parallel_loop3A_173 = arith.constant 6 : i32
        %parallel_loop3A_174 = vector.broadcast %parallel_loop3A_173 : i32 to vector<16xi32>
        %parallel_loop3A_175 = tpu.vector_load_idx %arg7[%parallel_loop3A_174, %parallel_loop3A_118] : memref<8x4096xf32, #tpu.memory_space<vmem>>[vector<16xi32>, vector<16xi32>], vector<16xf32>,
        %parallel_loop3A_176 = arith.constant 16 : i32
        %parallel_loop3A_177 = arith.muli %parallel_loop3A_112, %parallel_loop3A_176 : i32
        %parallel_loop3A_178 = arith.constant 6 : i32
        %parallel_loop3A_179 = arith.index_cast %parallel_loop3A_178 : i32 to index
        %parallel_loop3A_180 = arith.index_cast %parallel_loop3A_177 : i32 to index
        %parallel_loop3A_181 = tpu.vector_load %arg8[%parallel_loop3A_179, %parallel_loop3A_180] {strides = array<i32>} : memref<8x2048xf32, #tpu.memory_space<vmem>>, vector<16xf32>,
        tpu.vector_store %arg8[%parallel_loop3A_179, %parallel_loop3A_180], %parallel_loop3A_175 {strides = array<i32>} : memref<8x2048xf32, #tpu.memory_space<vmem>>, vector<16xf32>,
        %parallel_loop3A_182 = arith.constant 7 : i32
        %parallel_loop3A_183 = vector.broadcast %parallel_loop3A_182 : i32 to vector<16xi32>
        %parallel_loop3A_184 = tpu.vector_load_idx %arg7[%parallel_loop3A_183, %parallel_loop3A_118] : memref<8x4096xf32, #tpu.memory_space<vmem>>[vector<16xi32>, vector<16xi32>], vector<16xf32>,
        %parallel_loop3A_185 = arith.constant 16 : i32
        %parallel_loop3A_186 = arith.muli %parallel_loop3A_112, %parallel_loop3A_185 : i32
        %parallel_loop3A_187 = arith.constant 7 : i32
        %parallel_loop3A_188 = arith.index_cast %parallel_loop3A_187 : i32 to index
        %parallel_loop3A_189 = arith.index_cast %parallel_loop3A_186 : i32 to index
        %parallel_loop3A_190 = tpu.vector_load %arg8[%parallel_loop3A_188, %parallel_loop3A_189] {strides = array<i32>} : memref<8x2048xf32, #tpu.memory_space<vmem>>, vector<16xf32>,
        tpu.vector_store %arg8[%parallel_loop3A_188, %parallel_loop3A_189], %parallel_loop3A_184 {strides = array<i32>} : memref<8x2048xf32, #tpu.memory_space<vmem>>, vector<16xf32>,
      } {sc.loop_unroll_factor = 4 : i64, sc.parallel_access}
      %mul3A_83 = arith.constant 8 : i32
      %mul3A_84 = arith.muli %add3A_70, %mul3A_83 : i32
      %add3A_85 = arith.addi %mul3A_2, %mul3A_84 : i32
      %dma_start3A_86 = arith.constant 0 : i32
      %dma_start3A_87 = tpu.memref_slice %arg4[%add3A_85, %dma_start3A_86] : memref<8192x4096xf32, #tpu.memory_space<hbm>> -> memref<8x2048xf32, #tpu.memory_space<hbm>>
      %dma_start3A_88 = arith.constant 0 : i32
      %dma_start3A_89 = tpu.memref_slice %arg4[%add3A_85, %dma_start3A_88] : memref<8192x4096xf32, #tpu.memory_space<hbm>> -> memref<8x2048xf32, #tpu.memory_space<hbm>>
      tpu.enqueue_dma source(%arg8 : memref<8x2048xf32, #tpu.memory_space<vmem>>) target(%dma_start3A_89 : memref<8x2048xf32, #tpu.memory_space<hbm>>) target_semaphore(%arg12 : memref<!tpu.dma_semaphore, #tpu.memory_space<semaphore_mem>>)
      %ge3A_90 = arith.constant 1 : i32
      %ge3A_91 = arith.cmpi sge, %add3A_70, %ge3A_90 : i32
      %convert_element_type3A_92 = arith.extui %ge3A_91 : i1 to i32
      %cond3A_93 = arith.constant 0 : i32
      %cond3A_94 = arith.cmpi ne, %convert_element_type3A_92, %cond3A_93 : i32
      scf.if %cond3A_94 {
        %dma_wait3A_112 = arith.constant 0 : i32
        %dma_wait3A_113 = tpu.memref_slice %arg4[%mul3A_2, %dma_wait3A_112] : memref<8192x4096xf32, #tpu.memory_space<hbm>> -> memref<8x2048xf32, #tpu.memory_space<hbm>>
        %dma_wait3A_114 = arith.constant 0 : i32
        %dma_wait3A_115 = tpu.memref_slice %arg4[%mul3A_2, %dma_wait3A_114] : memref<8192x4096xf32, #tpu.memory_space<hbm>> -> memref<8x2048xf32, #tpu.memory_space<hbm>>
        tpu.wait_dma2 semaphore(%arg13 : memref<!tpu.dma_semaphore, #tpu.memory_space<semaphore_mem>>) src(%arg9 : memref<8x2048xf32, #tpu.memory_space<vmem>>) dst(%dma_wait3A_115 : memref<8x2048xf32, #tpu.memory_space<hbm>>)
      } else {
      }
      %parallel_loop3A_95 = arith.constant 0 : i32
      %parallel_loop3A_96 = arith.constant 128 : i32
      %parallel_loop3A_97 = arith.constant 1 : i32
      scf.for %parallel_loop3A_112 = %parallel_loop3A_95 to %parallel_loop3A_96 step %parallel_loop3A_97  : i32 {
        %parallel_loop3A_113 = arith.constant 16 : i32
        %parallel_loop3A_114 = arith.muli %parallel_loop3A_112, %parallel_loop3A_113 : i32
        %parallel_loop3A_115 = arith.constant 2048 : i32
        %parallel_loop3A_116 = arith.addi %parallel_loop3A_115, %parallel_loop3A_114 : i32
        %parallel_loop3A_117 = arith.index_cast %parallel_loop3A_116 : i32 to index
        %parallel_loop3A_118 = tpu.vector_load %arg5[%parallel_loop3A_117] {strides = array<i32>} : memref<4096xi32, #tpu.memory_space<vmem>>, vector<16xi32>,
        %parallel_loop3A_119 = arith.constant 0 : i32
        %parallel_loop3A_120 = vector.broadcast %parallel_loop3A_119 : i32 to vector<16xi32>
        %parallel_loop3A_121 = tpu.vector_load_idx %arg7[%parallel_loop3A_120, %parallel_loop3A_118] : memref<8x4096xf32, #tpu.memory_space<vmem>>[vector<16xi32>, vector<16xi32>], vector<16xf32>,
        %parallel_loop3A_122 = arith.constant 16 : i32
        %parallel_loop3A_123 = arith.muli %parallel_loop3A_112, %parallel_loop3A_122 : i32
        %parallel_loop3A_124 = arith.constant 0 : i32
        %parallel_loop3A_125 = arith.index_cast %parallel_loop3A_124 : i32 to index
        %parallel_loop3A_126 = arith.index_cast %parallel_loop3A_123 : i32 to index
        %parallel_loop3A_127 = tpu.vector_load %arg9[%parallel_loop3A_125, %parallel_loop3A_126] {strides = array<i32>} : memref<8x2048xf32, #tpu.memory_space<vmem>>, vector<16xf32>,
        tpu.vector_store %arg9[%parallel_loop3A_125, %parallel_loop3A_126], %parallel_loop3A_121 {strides = array<i32>} : memref<8x2048xf32, #tpu.memory_space<vmem>>, vector<16xf32>,
        %parallel_loop3A_128 = arith.constant 1 : i32
        %parallel_loop3A_129 = vector.broadcast %parallel_loop3A_128 : i32 to vector<16xi32>
        %parallel_loop3A_130 = tpu.vector_load_idx %arg7[%parallel_loop3A_129, %parallel_loop3A_118] : memref<8x4096xf32, #tpu.memory_space<vmem>>[vector<16xi32>, vector<16xi32>], vector<16xf32>,
        %parallel_loop3A_131 = arith.constant 16 : i32
        %parallel_loop3A_132 = arith.muli %parallel_loop3A_112, %parallel_loop3A_131 : i32
        %parallel_loop3A_133 = arith.constant 1 : i32
        %parallel_loop3A_134 = arith.index_cast %parallel_loop3A_133 : i32 to index
        %parallel_loop3A_135 = arith.index_cast %parallel_loop3A_132 : i32 to index
        %parallel_loop3A_136 = tpu.vector_load %arg9[%parallel_loop3A_134, %parallel_loop3A_135] {strides = array<i32>} : memref<8x2048xf32, #tpu.memory_space<vmem>>, vector<16xf32>,
        tpu.vector_store %arg9[%parallel_loop3A_134, %parallel_loop3A_135], %parallel_loop3A_130 {strides = array<i32>} : memref<8x2048xf32, #tpu.memory_space<vmem>>, vector<16xf32>,
        %parallel_loop3A_137 = arith.constant 2 : i32
        %parallel_loop3A_138 = vector.broadcast %parallel_loop3A_137 : i32 to vector<16xi32>
        %parallel_loop3A_139 = tpu.vector_load_idx %arg7[%parallel_loop3A_138, %parallel_loop3A_118] : memref<8x4096xf32, #tpu.memory_space<vmem>>[vector<16xi32>, vector<16xi32>], vector<16xf32>,
        %parallel_loop3A_140 = arith.constant 16 : i32
        %parallel_loop3A_141 = arith.muli %parallel_loop3A_112, %parallel_loop3A_140 : i32
        %parallel_loop3A_142 = arith.constant 2 : i32
        %parallel_loop3A_143 = arith.index_cast %parallel_loop3A_142 : i32 to index
        %parallel_loop3A_144 = arith.index_cast %parallel_loop3A_141 : i32 to index
        %parallel_loop3A_145 = tpu.vector_load %arg9[%parallel_loop3A_143, %parallel_loop3A_144] {strides = array<i32>} : memref<8x2048xf32, #tpu.memory_space<vmem>>, vector<16xf32>,
        tpu.vector_store %arg9[%parallel_loop3A_143, %parallel_loop3A_144], %parallel_loop3A_139 {strides = array<i32>} : memref<8x2048xf32, #tpu.memory_space<vmem>>, vector<16xf32>,
        %parallel_loop3A_146 = arith.constant 3 : i32
        %parallel_loop3A_147 = vector.broadcast %parallel_loop3A_146 : i32 to vector<16xi32>
        %parallel_loop3A_148 = tpu.vector_load_idx %arg7[%parallel_loop3A_147, %parallel_loop3A_118] : memref<8x4096xf32, #tpu.memory_space<vmem>>[vector<16xi32>, vector<16xi32>], vector<16xf32>,
        %parallel_loop3A_149 = arith.constant 16 : i32
        %parallel_loop3A_150 = arith.muli %parallel_loop3A_112, %parallel_loop3A_149 : i32
        %parallel_loop3A_151 = arith.constant 3 : i32
        %parallel_loop3A_152 = arith.index_cast %parallel_loop3A_151 : i32 to index
        %parallel_loop3A_153 = arith.index_cast %parallel_loop3A_150 : i32 to index
        %parallel_loop3A_154 = tpu.vector_load %arg9[%parallel_loop3A_152, %parallel_loop3A_153] {strides = array<i32>} : memref<8x2048xf32, #tpu.memory_space<vmem>>, vector<16xf32>,
        tpu.vector_store %arg9[%parallel_loop3A_152, %parallel_loop3A_153], %parallel_loop3A_148 {strides = array<i32>} : memref<8x2048xf32, #tpu.memory_space<vmem>>, vector<16xf32>,
        %parallel_loop3A_155 = arith.constant 4 : i32
        %parallel_loop3A_156 = vector.broadcast %parallel_loop3A_155 : i32 to vector<16xi32>
        %parallel_loop3A_157 = tpu.vector_load_idx %arg7[%parallel_loop3A_156, %parallel_loop3A_118] : memref<8x4096xf32, #tpu.memory_space<vmem>>[vector<16xi32>, vector<16xi32>], vector<16xf32>,
        %parallel_loop3A_158 = arith.constant 16 : i32
        %parallel_loop3A_159 = arith.muli %parallel_loop3A_112, %parallel_loop3A_158 : i32
        %parallel_loop3A_160 = arith.constant 4 : i32
        %parallel_loop3A_161 = arith.index_cast %parallel_loop3A_160 : i32 to index
        %parallel_loop3A_162 = arith.index_cast %parallel_loop3A_159 : i32 to index
        %parallel_loop3A_163 = tpu.vector_load %arg9[%parallel_loop3A_161, %parallel_loop3A_162] {strides = array<i32>} : memref<8x2048xf32, #tpu.memory_space<vmem>>, vector<16xf32>,
        tpu.vector_store %arg9[%parallel_loop3A_161, %parallel_loop3A_162], %parallel_loop3A_157 {strides = array<i32>} : memref<8x2048xf32, #tpu.memory_space<vmem>>, vector<16xf32>,
        %parallel_loop3A_164 = arith.constant 5 : i32
        %parallel_loop3A_165 = vector.broadcast %parallel_loop3A_164 : i32 to vector<16xi32>
        %parallel_loop3A_166 = tpu.vector_load_idx %arg7[%parallel_loop3A_165, %parallel_loop3A_118] : memref<8x4096xf32, #tpu.memory_space<vmem>>[vector<16xi32>, vector<16xi32>], vector<16xf32>,
        %parallel_loop3A_167 = arith.constant 16 : i32
        %parallel_loop3A_168 = arith.muli %parallel_loop3A_112, %parallel_loop3A_167 : i32
        %parallel_loop3A_169 = arith.constant 5 : i32
        %parallel_loop3A_170 = arith.index_cast %parallel_loop3A_169 : i32 to index
        %parallel_loop3A_171 = arith.index_cast %parallel_loop3A_168 : i32 to index
        %parallel_loop3A_172 = tpu.vector_load %arg9[%parallel_loop3A_170, %parallel_loop3A_171] {strides = array<i32>} : memref<8x2048xf32, #tpu.memory_space<vmem>>, vector<16xf32>,
        tpu.vector_store %arg9[%parallel_loop3A_170, %parallel_loop3A_171], %parallel_loop3A_166 {strides = array<i32>} : memref<8x2048xf32, #tpu.memory_space<vmem>>, vector<16xf32>,
        %parallel_loop3A_173 = arith.constant 6 : i32
        %parallel_loop3A_174 = vector.broadcast %parallel_loop3A_173 : i32 to vector<16xi32>
        %parallel_loop3A_175 = tpu.vector_load_idx %arg7[%parallel_loop3A_174, %parallel_loop3A_118] : memref<8x4096xf32, #tpu.memory_space<vmem>>[vector<16xi32>, vector<16xi32>], vector<16xf32>,
        %parallel_loop3A_176 = arith.constant 16 : i32
        %parallel_loop3A_177 = arith.muli %parallel_loop3A_112, %parallel_loop3A_176 : i32
        %parallel_loop3A_178 = arith.constant 6 : i32
        %parallel_loop3A_179 = arith.index_cast %parallel_loop3A_178 : i32 to index
        %parallel_loop3A_180 = arith.index_cast %parallel_loop3A_177 : i32 to index
        %parallel_loop3A_181 = tpu.vector_load %arg9[%parallel_loop3A_179, %parallel_loop3A_180] {strides = array<i32>} : memref<8x2048xf32, #tpu.memory_space<vmem>>, vector<16xf32>,
        tpu.vector_store %arg9[%parallel_loop3A_179, %parallel_loop3A_180], %parallel_loop3A_175 {strides = array<i32>} : memref<8x2048xf32, #tpu.memory_space<vmem>>, vector<16xf32>,
        %parallel_loop3A_182 = arith.constant 7 : i32
        %parallel_loop3A_183 = vector.broadcast %parallel_loop3A_182 : i32 to vector<16xi32>
        %parallel_loop3A_184 = tpu.vector_load_idx %arg7[%parallel_loop3A_183, %parallel_loop3A_118] : memref<8x4096xf32, #tpu.memory_space<vmem>>[vector<16xi32>, vector<16xi32>], vector<16xf32>,
        %parallel_loop3A_185 = arith.constant 16 : i32
        %parallel_loop3A_186 = arith.muli %parallel_loop3A_112, %parallel_loop3A_185 : i32
        %parallel_loop3A_187 = arith.constant 7 : i32
        %parallel_loop3A_188 = arith.index_cast %parallel_loop3A_187 : i32 to index
        %parallel_loop3A_189 = arith.index_cast %parallel_loop3A_186 : i32 to index
        %parallel_loop3A_190 = tpu.vector_load %arg9[%parallel_loop3A_188, %parallel_loop3A_189] {strides = array<i32>} : memref<8x2048xf32, #tpu.memory_space<vmem>>, vector<16xf32>,
        tpu.vector_store %arg9[%parallel_loop3A_188, %parallel_loop3A_189], %parallel_loop3A_184 {strides = array<i32>} : memref<8x2048xf32, #tpu.memory_space<vmem>>, vector<16xf32>,
      } {sc.loop_unroll_factor = 4 : i64, sc.parallel_access}
      %mul3A_98 = arith.constant 8 : i32
      %mul3A_99 = arith.muli %add3A_70, %mul3A_98 : i32
      %add3A_100 = arith.addi %mul3A_2, %mul3A_99 : i32
      %dma_start3A_101 = arith.constant 2048 : i32
      %dma_start3A_102 = tpu.memref_slice %arg4[%add3A_100, %dma_start3A_101] : memref<8192x4096xf32, #tpu.memory_space<hbm>> -> memref<8x2048xf32, #tpu.memory_space<hbm>>
      %dma_start3A_103 = arith.constant 2048 : i32
      %dma_start3A_104 = tpu.memref_slice %arg4[%add3A_100, %dma_start3A_103] : memref<8192x4096xf32, #tpu.memory_space<hbm>> -> memref<8x2048xf32, #tpu.memory_space<hbm>>
      tpu.enqueue_dma source(%arg9 : memref<8x2048xf32, #tpu.memory_space<vmem>>) target(%dma_start3A_104 : memref<8x2048xf32, #tpu.memory_space<hbm>>) target_semaphore(%arg13 : memref<!tpu.dma_semaphore, #tpu.memory_space<semaphore_mem>>)
      %add3A_105 = arith.constant 2 : i32
      %add3A_106 = arith.addi %add3A_70, %add3A_105 : i32
      %lt3A_107 = arith.constant 32 : i32
      %lt3A_108 = arith.cmpi slt, %add3A_106, %lt3A_107 : i32
      %convert_element_type3A_109 = arith.extui %lt3A_108 : i1 to i32
      %cond3A_110 = arith.constant 0 : i32
      %cond3A_111 = arith.cmpi ne, %convert_element_type3A_109, %cond3A_110 : i32
      scf.if %cond3A_111 {
        %add3A_112 = arith.constant 2 : i32
        %add3A_113 = arith.addi %add3A_70, %add3A_112 : i32
        %mul3A_114 = arith.constant 8 : i32
        %mul3A_115 = arith.muli %add3A_113, %mul3A_114 : i32
        %add3A_116 = arith.addi %mul3A_2, %mul3A_115 : i32
        %dma_start3A_117 = arith.constant 0 : i32
        %dma_start3A_118 = tpu.memref_slice %arg2[%add3A_116, %dma_start3A_117] : memref<8192x4096xf32, #tpu.memory_space<hbm>> -> memref<8x4096xf32, #tpu.memory_space<hbm>>
        %dma_start3A_119 = arith.constant 0 : i32
        %dma_start3A_120 = tpu.memref_slice %arg2[%add3A_116, %dma_start3A_119] : memref<8192x4096xf32, #tpu.memory_space<hbm>> -> memref<8x4096xf32, #tpu.memory_space<hbm>>
        tpu.enqueue_dma source(%dma_start3A_120 : memref<8x4096xf32, #tpu.memory_space<hbm>>) target(%arg7 : memref<8x4096xf32, #tpu.memory_space<vmem>>) target_semaphore(%arg11 : memref<!tpu.dma_semaphore, #tpu.memory_space<semaphore_mem>>)
      } else {
      }
    }
    %scan3A_18 = arith.constant 16 : i32
    %dma_wait3A = arith.constant 0 : i32
    %dma_wait3A_19 = tpu.memref_slice %arg4[%mul3A_2, %dma_wait3A] : memref<8192x4096xf32, #tpu.memory_space<hbm>> -> memref<8x2048xf32, #tpu.memory_space<hbm>>
    %dma_wait3A_20 = arith.constant 0 : i32
    %dma_wait3A_21 = tpu.memref_slice %arg4[%mul3A_2, %dma_wait3A_20] : memref<8192x4096xf32, #tpu.memory_space<hbm>> -> memref<8x2048xf32, #tpu.memory_space<hbm>>
    tpu.wait_dma2 semaphore(%arg12 : memref<!tpu.dma_semaphore, #tpu.memory_space<semaphore_mem>>) src(%arg8 : memref<8x2048xf32, #tpu.memory_space<vmem>>) dst(%dma_wait3A_21 : memref<8x2048xf32, #tpu.memory_space<hbm>>)
    %dma_wait3A_22 = arith.constant 0 : i32
    %dma_wait3A_23 = tpu.memref_slice %arg4[%mul3A_2, %dma_wait3A_22] : memref<8192x4096xf32, #tpu.memory_space<hbm>> -> memref<8x2048xf32, #tpu.memory_space<hbm>>
    %dma_wait3A_24 = arith.constant 0 : i32
    %dma_wait3A_25 = tpu.memref_slice %arg4[%mul3A_2, %dma_wait3A_24] : memref<8192x4096xf32, #tpu.memory_space<hbm>> -> memref<8x2048xf32, #tpu.memory_space<hbm>>
    tpu.wait_dma2 semaphore(%arg13 : memref<!tpu.dma_semaphore, #tpu.memory_space<semaphore_mem>>) src(%arg9 : memref<8x2048xf32, #tpu.memory_space<vmem>>) dst(%dma_wait3A_25 : memref<8x2048xf32, #tpu.memory_space<hbm>>)
    return
  }
}

</mosaic_0001>

<sc_bundles>
// kernel: kernel.3.cloned.1.call-start
scs
__scs_entry_jumppad:
0x0: {  	(pc) =	sbr.rel $0x88, $3  }
0x1: {  	(tag) =	ssettag $0x0;
	lr =	simm.s32 $0x1  }
0x2: {  	[smem:$0x3F9F] =	sst lr;
	_ =	strace $0xD0000000  }
0x3: {  	_ = 	snop  }
0x4: {  	_ = 	snop  }
0x5: {  	_ = 	snop  }
0x6: {  	_ = 	snop  }
0x7: {  	_ = 	snop  }
__scs_overlays_trampoline_lowered:
0x8: {  	[smem:$0x3FAE] =	sst s0  }
0x9: {  	[smem:$0x3FAF] =	sst s1  }
0xa: {  	[smem:$0x3FB0] =	sst s2  }
0xb: {  	[smem:$0x3FB1] =	sst s3  }
0xc: {  	[smem:$0x3FB2] =	sst s4  }
0xd: {  	[smem:$0x3FB3] =	sst s5  }
0xe: {  	[smem:$0x3FB4] =	sst s6  }
0xf: {  	[smem:$0x3FB5] =	sst s7  }
0x10: {  	[smem:$0x3FB6] =	sst s8  }
0x11: {  	[smem:$0x3FB7] =	sst s9;
	s0 =	simm.s32 @!p0 $0x0  }
0x12: {  	s1 =	sld [smem:$0x3F9D];
	s0 =	simm.s32 @p0 $0x1  }
0x13: {  	[smem:$0x3FB8] =	sst s0;
	s0 =	simm.s32 @!p1 $0x0  }
0x14: {  	s2 =	sld [smem:$0x3F9C];
	s0 =	simm.s32 @p1 $0x1  }
0x15: {  	[smem:$0x3FB9] =	sst s0;
	s0 =	simm.s32 @!p2 $0x0  }
0x16: {  	s3 =	sld [smem:$0x3FDB];
	s0 =	simm.s32 @p2 $0x1  }
0x17: {  	s4 =	simm.s32 $0x1BF5;
	[smem:$0x3FBB] =	sst s0  }
0x18: {  	s0 =	sld [smem:$0x3F9E];
	_ =	swait.ge [sflag:s4], $0x0  }
0x19: {  	s7 =	sld [smem:$0x3F9F]  }
0x1a: {  	s8 =	sadd.s32 $0xFFFFE003, lr  }
0x1b: {  	s9 =	sadd.s32 $0xFFFFFEF7, lr;
	s5 =	simm.s32 $0xFFFFFFFF;
	p2 =	slt.u32 s8, $0xFFFFF086  }
0x1c: {  	p1 =	slt.u32 s9, $0xF7A;
	s5 =	simm.s32 @!p2 $0x0  }
0x1d: {  	s5 =	simm.s32 @p1 $0x1;
	p0 =	seq.s32 s7, s2  }
0x1e: {  	s7 =	smul.u32 @!p0 $0xF7A, s2;
	p2 =	seq.s32 @!p0 s5, $0x0  }
0x1f: {  	s9 =	smul.u32 $0xF7A, s1;
	s8 =	simm.s32 @!p0 $0x1BF5;
	p2 =	por !p2, p0  }
0x20: {  	[sflag:s8] =	ssyncset.s32 @!p0 $0xFFFFF086;
	s6 =	sadd.s32 @!p0 s3, s7;
	s7 =	simm.s32 @!p0 $0x108  }
0x21: {  	s3 =	sadd.s32 s3, s9;
	s6 =	sadd.s32 @!p0 $0x88, s6;
	s7 =	simm.s32 @p2 $0x1082  }
0x22: {  	[simem:s7], [sflag:s8] =	dma.local @!p0 [hbm:s6], $0xF7A  }
0x23: {  	s9 =	sor.u32 $0xD0000000, s2;
	s6 =	simm.s32 $0x108;
	_ =	swait.ge @!p0 [sflag:s8], $0x0  }
0x24: {  	s3 =	sadd.s32 $0x88, s3;
	s6 =	simm.s32 @!p1 $0x1082;
	[sflag:s4] =	ssyncset.s32 $0xFFFFF086  }
0x25: {  	[simem:s6], [sflag:s4] =	dma.local [hbm:s3], $0xF7A  }
0x26: {  	[smem:$0x3F9F] =	sst s1;
	(tag) =	ssettag s2;
	_ =	strace s9  }
0x27: {  	s1 =	sld [smem:$0x3FAF]  }
0x28: {  	s2 =	sld [smem:$0x3FB0]  }
0x29: {  	s4 =	sld [smem:$0x3FB2]  }
0x2a: {  	p0 =	seq.s32 s5, $0x0;
	s5 =	sld [smem:$0x3FB3]  }
0x2b: {  	s6 =	sld [smem:$0x3FB4]  }
0x2c: {  	s7 =	sld [smem:$0x3FB5]  }
0x2d: {  	s3 =	simm.s32 $0x108;
	s8 =	sld [smem:$0x3FB6]  }
0x2e: {  	s3 =	simm.s32 @!p0 $0x1082;
	s9 =	sld [smem:$0x3FB7]  }
0x2f: {  	lr =	sadd.s32 s0, s3;
	s0 =	sld [smem:$0x3FAE]  }
0x30: {  	s3 =	sld [smem:$0x3FB1]  }
0x31: {  	[smem:$0x3FBA] =	sst s10  }
0x32: {  	s10 =	sld [smem:$0x3FB8];
	_ =	sdelay $0x3  }
0x33: {  	p0 =	seq.s32 s10, $0x1;
	s10 =	sld [smem:$0x3FBA];
	_ =	sdelay $0x3  }
0x34: {  	[smem:$0x3FBA] =	sst s10  }
0x35: {  	s10 =	sld [smem:$0x3FB9];
	_ =	sdelay $0x3  }
0x36: {  	p1 =	seq.s32 s10, $0x1;
	s10 =	sld [smem:$0x3FBA];
	_ =	sdelay $0x3  }
0x37: {  	[smem:$0x3FBA] =	sst s10  }
0x38: {  	s10 =	sld [smem:$0x3FBB]  }
0x39: {  	_ = 	snop;
	(pc) =	sbr.ind lr, $3  }
0x3a: {  	_ = 	snop  }
0x3b: {  	_ = 	snop  }
0x3c: {  	p2 =	seq.s32 s10, $0x1;
	s10 =	sld [smem:$0x3FBA]  }
0x3d: {  	_ =	shalt  }
0x3e: {  	_ =	shalt  }
0x3f: {  	_ =	shalt  }
0x40: {  	_ =	shalt  }
0x41: {  	_ =	shalt  }
0x42: {  	_ =	shalt  }
0x43: {  	_ =	shalt  }
0x44: {  	_ =	shalt  }
0x45: {  	_ =	shalt  }
0x46: {  	_ =	shalt  }
0x47: {  	_ =	shalt  }
0x48: {  	_ =	shalt  }
0x49: {  	_ =	shalt  }
0x4a: {  	_ =	shalt  }
0x4b: {  	_ =	shalt  }
0x4c: {  	_ =	shalt  }
0x4d: {  	_ =	shalt  }
0x4e: {  	_ =	shalt  }
0x4f: {  	_ =	shalt  }
0x50: {  	_ =	shalt  }
0x51: {  	_ =	shalt  }
0x52: {  	_ =	shalt  }
0x53: {  	_ =	shalt  }
0x54: {  	_ =	shalt  }
0x55: {  	_ =	shalt  }
0x56: {  	_ =	shalt  }
0x57: {  	_ =	shalt  }
0x58: {  	_ =	shalt  }
0x59: {  	_ =	shalt  }
0x5a: {  	_ =	shalt  }
0x5b: {  	_ =	shalt  }
0x5c: {  	_ =	shalt  }
0x5d: {  	_ =	shalt  }
0x5e: {  	_ =	shalt  }
0x5f: {  	_ =	shalt  }
0x60: {  	_ =	shalt  }
0x61: {  	_ =	shalt  }
0x62: {  	_ =	shalt  }
0x63: {  	_ =	shalt  }
0x64: {  	_ =	shalt  }
0x65: {  	_ =	shalt  }
0x66: {  	_ =	shalt  }
0x67: {  	_ =	shalt  }
0x68: {  	_ =	shalt  }
0x69: {  	_ =	shalt  }
0x6a: {  	_ =	shalt  }
0x6b: {  	_ =	shalt  }
0x6c: {  	_ =	shalt  }
0x6d: {  	_ =	shalt  }
0x6e: {  	_ =	shalt  }
0x6f: {  	_ =	shalt  }
0x70: {  	_ =	shalt  }
0x71: {  	_ =	shalt  }
0x72: {  	_ =	shalt  }
0x73: {  	_ =	shalt  }
0x74: {  	_ =	shalt  }
0x75: {  	_ =	shalt  }
0x76: {  	_ =	shalt  }
0x77: {  	_ =	shalt  }
0x78: {  	_ =	shalt  }
0x79: {  	_ =	shalt  }
0x7a: {  	_ =	shalt  }
0x7b: {  	_ =	shalt  }
0x7c: {  	_ =	shalt  }
0x7d: {  	_ =	shalt  }
0x7e: {  	_ =	shalt  }
0x7f: {  	_ =	shalt  }
0x80: {  	_ =	shalt  }
0x81: {  	_ =	shalt  }
0x82: {  	_ =	shalt  }
0x83: {  	_ =	shalt  }
0x84: {  	_ =	shalt  }
0x85: {  	_ =	shalt  }
0x86: {  	_ =	shalt  }
0x87: {  	_ =	shalt  }
.Lfunc_end0:
.L_simem_size_0:
called_computation_lowered:
.L_overlay_start_0:
0x88: {  	s2 =	sld [smem:$0x3FD9]  }
0x89: {  	s3 =	sld [smem:$0x3FFE];
	_ =	sdelay $0x1  }
0x8a: {  	s1 =	srdreg.scid  }
0x8b: {  	s0 =	sand.u32 $0x1, s1  }
0x8c: {  	s15 =	sshll.u32 s0, $0xA;
	s2 =	sadd.s32 s3, s2  }
0x8d: {  	s2 =	sadd.s32 s2, s15  }
0x8e: {  	[smem:$0x3FC6] =	sst s2  }
0x8f: {  	_ = 	snop  }
0x90: {  	s2 =	sld [smem:$0x3FD0];
	_ =	sdelay $0x1  }
0x91: {  	s16 =	sld [smem:$0x3FC9]  }
0x92: {  	s5 =	simm.s32 $0xA;
	s6 =	simm.s32 $0x10;
	s4 =	sld [smem:$0x3FC8]  }
0x93: {  	[smem:s6], [sflag:s5] =	dma.local [hbm:s2], $0x1  }
0x94: {  	_ =	swait.eq [sflag:s5], $0x1  }
0x95: {  	[sflag:s5] =	ssyncset.done $0x0  }
0x96: {  	[sflag:s5] =	ssyncadd.s32 $0xFFFFFFFF  }
0x97: {  	s17 =	sld [smem:$0x10];
	(tm) =	ssettm $0x1  }
0x98: {  	s18 =	sld [smem:$0x3FFB];
	_ =	sdelay $0x3  }
0x99: {  	_ =	strace s18  }
0x9a: {  	s5 =	sld [smem:$0x3FFC];
	_ =	sdelay $0x3  }
0x9b: {  	_ =	strace s5  }
0x9c: {  	s5 =	sld [smem:$0x3FFD];
	_ =	sdelay $0x3  }
0x9d: {  	_ =	strace s5  }
0x9e: {  	_ =	strace $0x8FFFFFFF  }
0x9f: {  	s19 =	sld [smem:$0x3FDB];
	_ =	sdelay $0x1  }
0xa0: {  	s20 =	simm.s32 $_scs_section_size  }
0xa1: {  	s7 =	simm.s32 $_size__tile_overlayer_lowered;
	s8 =	simm.s32 $_tile_overlayer_lowered  }
0xa2: {  	s23 =	simm.s32 $0x1BFF;
	s22 =	sshll.u32 s8, $0x1;
	s5 =	sadd.s32 s20, s19  }
0xa3: {  	s9 =	simm.s32 $0x0;
	s21 =	sshll.u32 s7, $0x1;
	s7 =	sadd.s32 s22, s5  }
0xa4: {  	[timem:s9], [sflag:s23] =	dma.local [hbm:s7], s21  }
0xa5: {  	_ =	swait.ge [sflag:s23], s21  }
0xa6: {  	s6 =	ssub.s32 $0x0, s21;
	[sflag:s23] =	ssyncset.done $0x0  }
0xa7: {  	[sflag:s23] =	ssyncadd.s32 s6;
	_ =	sdelay $0x1  }
0xa8: {  	s24 =	simm.s32 $0x1B8B  }
0xa9: {  	_ =	swait.ge [sflag:s24], $0x1  }
0xaa: {  	[sflag:s24] =	ssyncset.done $0x0  }
0xab: {  	s25 =	simm.s32 $0x1B8E;
	[sflag:s24] =	ssyncadd.s32 $0xFFFFFFFF  }
0xac: {  	s26 =	simm.s32 $execute0_lowered;
	[smem:$0x3FD2] =	sst s25  }
0xad: {  	s6 =	sshll.u32 s26, $0x1;
	_ =	strace $0x80000046;
	[dreg:$0x1] =	wrdreg $0xFFFFFFFF  }
0xae: {  	s28 =	simm.s32 $_size_execute0_lowered;
	s5 =	sadd.s32 s5, s6;
	[dreg:$0x0] =	wrdreg $0x0  }
0xaf: {  	s6 =	sshll.u32 s28, $0x1;
	[dreg:$0x2] =	wrdreg s5  }
0xb0: {  	[dreg:$0x3] =	wrdreg s6  }
0xb1: {  	[dreg:$0x4] =	wrdreg $0xC0  }
0xb2: {  	_ =	task [dreg:s9], $0x5FFFF  }
0xb3: {  	[dreg:$0x1] =	wrdreg $0xFFFFFFFF  }
0xb4: {  	[dreg:$0x0] =	wrdreg $0x60  }
0xb5: {  	[dreg:$0x2] =	wrdreg s16  }
0xb6: {  	[dreg:$0x3] =	wrdreg s4  }
0xb7: {  	[dreg:$0x4] =	wrdreg s17  }
0xb8: {  	[dreg:$0x5] =	wrdreg $0x9  }
0xb9: {  	_ =	task.clear_ibuf [dreg:s9], $0x6FFFF;
	_ =	strace $0x90000046  }
0xba: {  	s29 =	simm.s32 $0x9;
	_ =	strace $0x80000048  }
0xbb: {  	_ =	swait.ge [sflag:s29], $0x1  }
0xbc: {  	[sflag:s29] =	ssyncadd.s32 $0xFFFFFFFF  }
0xbd: {  	_ =	strace $0x90000048  }
0xbe: {  	_ =	sfence  }
0xbf: {  	s30 =	sld [smem:$0x0];
	_ =	sdelay $0x2  }
0xc0: {  	s31 =	sshll.u32 s1, $0xD;
	s1 =	sshrl.u32 s1, $0x2  }
0xc1: {  	s3 =	sand.u32 $0x4000, s31;
	s1 =	sadd.s32 s1, s30  }
0xc2: {  	s0 =	sor.u32 s3, s0;
	s1 =	sshll.u32 s1, $0x11  }
0xc3: {  	s0 =	sor.u32 s1, s0  }
0xc4: {  	s0 =	sadd.s32 $0x8F2B, s0  }
0xc5: {  	[sflag:s0] =	ssyncadd.remote.s32 $0x1  }
0xc6: {  	_ =	sfence.sel $0xFFFF  }
0xc7: {  	[dreg:$0x0] =	wrdreg $0xFFFFFFFF;
	(pc) =	sbr.abs _section_cstart, $3  }
0xc8: {  	[dreg:$0x1] =	wrdreg $0xFFFFFFFF  }
0xc9: {  	_ =	task.clear_ibuf [dreg:s9], $0x2FFFF;
	_ =	strace $0x9FFFFFFF  }
0xca: {  	(tm) =	ssettm $0x7FFFFFFF  }
0xcb: {  	_ =	shalt  }
tec
execute0_lowered:
.L_overlay_start_1:
0x0: {  	(tag) =	ssettag $0x1  }
0x1: {  	s3 =	rddreg [dreg:$0x0];
	s0 =	srdreg.scid  }
0x2: {  	s1 =	stileid.u32;
	s21 =	rddreg [dreg:$0x2];
	s0 =	sand.u32 $0x1, s0  }
0x3: {  	s5 =	simm.s32 $0x0;
	s1 =	sshll.u32 s1, $0x9;
	s2 =	sshll.u32 s0, $0x8  }
0x4: {  	[smem:$0x7FF] =	sst s5;
	s0 =	ssub.s32 $0x2, s0;
	s1 =	sor.u32 s2, s1  }
0x5: {  	_ =	strace $0x80000047;
	s28 =	sshrl.u32 s0, $0x1;
	s4 =	sshll.u32 s1, $0x9  }
0x6: {  	s1 =	sshrl.u32 s1, $0x3;
	s3 =	sadd.s32 s3, s4;
	[dreg:$0x4] =	wrdreg s4  }
0x7: {  	s0 =	ssub.s32 s0, s28;
	s30 =	sor.u32 $0x2, s1;
	[dreg:$0x5] =	wrdreg s3  }
.Ltmp0:
0x8: {  	s1 =	sor.u32 $0x3, s1;
	[dreg:$0x7] =	wrdreg s30;
	(pc) =	sbr.rel .LBB2_1-.Ltmp0, $4  }
0x9: {  	s0 =	smax.u32 s0, $0x1;
	[dreg:$0x8] =	wrdreg s1  }
0xa: {  	s15 =	simm.s32 $0x1000;
	s31 =	sor.u32 $0x1000, s4;
	[dreg:$0x9] =	wrdreg s0  }
0xb: {  	s16 =	simm.s32 $0x9000;
	s29 =	sadd.s32 $0x1000, s3;
	[dreg:$0xa] =	wrdreg s31  }
0xc: {  	s9 =	sadd.s32 $0x800, s21;
	s2 =	simm.s32 $0x0;
	[dreg:$0x6] =	wrdreg s29  }
.LBB2_12:
0xd: {  	s0 =	simm.s32 $0x3  }
0xe: {  	_ =	swait.ge [sflag:s0], $0x4000  }
0xf: {  	[sflag:s0] =	ssyncset.done $0x0  }
0x10: {  	s1 =	simm.s32 $0x4;
	[sflag:s0] =	ssyncadd.s32 $0xFFFFC000  }
0x11: {  	_ =	swait.ge [sflag:s1], $0x4000  }
0x12: {  	s2 =	rddreg [dreg:$0xb]  }
0x13: {  	s31 =	rddreg [dreg:$0x9];
	s2 =	sadd.s32 $0x1, s2  }
0x14: {  	p0 =	sne.s32 s2, s31  }
.Ltmp1:
0x15: {  	_ = 	snop;
	(pc) =	sbr.rel @!p0 .LBB2_13-.Ltmp1, $3  }
0x16: {  	_ =	sdelay $0x1  }
0x17: {  	[sflag:s1] =	ssyncset.done $0x0  }
0x18: {  	[sflag:s1] =	ssyncadd.s32 $0xFFFFC000  }
.LBB2_1:
0x19: {  	[dreg:$0xb] =	wrdreg s2  }
0x1a: {  	s0 =	rddreg [dreg:$0x1];
	s29 =	simm.s32 $0x5  }
0x1b: {  	[tilespmem:s5], [sflag:$0x5] =	stream.linear.gather [hbm4b:s0+s5], $0x1000, $0x38;
	[tilespmem:$0x19000] =	vst v63  }
0x1c: {  	_ =	swait.ge [sflag:s29], $0x1000  }
0x1d: {  	[sflag:s29] =	ssyncset.done $0x0  }
0x1e: {  	s30 =	rddreg [dreg:$0x5];
	[sflag:s29] =	ssyncadd.s32 $0xFFFFF000  }
0x1f: {  	[tilespmem:s15], [sflag:$0x1] =	stream.linear.gather [hbm4b:s30+s5], $0x8000, $0x38;
	[tilespmem:$0x19000] =	vst v63  }
0x20: {  	s24 =	simm.s32 $0x0;
	s31 =	rddreg [dreg:$0x6]  }
0x21: {  	[tilespmem:s16], [sflag:$0x2] =	stream.linear.gather [hbm4b:s31+s5], $0x8000, $0x38;
	[tilespmem:$0x19000] =	vst v63  }
.LBB2_2:
0x22: {  	s0 =	simm.s32 $0x1  }
0x23: {  	_ =	swait.ge [sflag:s0], $0x8000  }
0x24: {  	p0 =	seq.s32 s24, $0x0;
	[sflag:s0] =	ssyncset.done $0x0  }
0x25: {  	s1 =	simm.s32 $0x0;
	[sflag:s0] =	ssyncadd.s32 $0xFFFF8000;
	s0 =	simm.s32 @!p0 $0x3  }
0x26: {  	s2 =	sand.u32 $0x40, s1;
	_ =	swait.ge @!p0 [sflag:s0], $0x4000  }
0x27: {  	s3 =	sand.u32 $0x780, s1;
	s4 =	sor.u32 $0x30, s2;
	[sflag:s0] =	ssyncset.done @!p0 $0x0  }
0x28: {  	s18 =	sor.u32 s4, s3;
	[sflag:s0] =	ssyncadd.s32 @!p0 $0xFFFFC000  }
0x29: {  	v0 =	vld [tilespmem:s18+$0x0]  }
0x2a: {  	s19 =	sor.u32 $0x10, s2;
	v1 =	vld [tilespmem:s1+$0x0]  }
0x2b: {  	s6 =	sor.u32 $0x20, s2;
	s7 =	sor.u32 s19, s3  }
0x2c: {  	s3 =	sor.u32 s6, s3;
	v2 =	vld [tilespmem:s7+$0x0]  }
0x2d: {  	v3 =	vld [tilespmem:s3+$0x0]  }
0x2e: {  	v4 =	vshll.u32 v0, $0x3  }
0x2f: {  	v5 =	vshll.u32 v1, $0x3;
	v0 =	vand.u32 $0x7F, v0;
	v4 =	vand.u32 $0xFFFFFC00, v4  }
0x30: {  	v1 =	vand.u32 $0x7F, v1;
	v6 =	vand.u32 $0xFFFFFC00, v5;
	v5 =	vor.u32 v0, v4  }
0x31: {  	v0 =	vor.u32 v1, v6;
	v1 =	vshll.u32 v2, $0x3  }
0x32: {  	v4 =	vshll.u32 v3, $0x3;
	v2 =	vand.u32 $0x7F, v2;
	v1 =	vand.u32 $0xFFFFFC00, v1  }
0x33: {  	v6 =	vand.u32 $0xFFFFFC00, v4;
	v4 =	vor.u32 v2, v1;
	v1 =	vand.u32 $0x7F, v3  }
0x34: {  	v3 =	vor.u32 v1, v6  }
0x35: {  	v1 =	vld.idx.msk [tilespmem:v5+s15+$0x0], $0xffff  }
0x36: {  	v6 =	vor.u32 $0x80, v5;
	v2 =	vld.idx.msk [tilespmem:v0+s15+$0x0], $0xffff  }
0x37: {  	s1 =	sand.u32 $0x3C00, s1;
	v7 =	vor.u32 $0x80, v0  }
0x38: {  	s20 =	sadd.s32 $0x11000, s1;
	v8 =	vld.idx.msk [tilespmem:v4+s15+$0x0], $0xffff  }
0x39: {  	s8 =	sor.u32 s4, s20;
	v9 =	vor.u32 $0x80, v4;
	v10 =	vld.idx.msk [tilespmem:v3+s15+$0x0], $0xffff  }
0x3a: {  	s1 =	sor.u32 s2, s20;
	v11 =	vor.u32 $0x80, v3;
	[tilespmem:s8+$0x0] =	vst v1  }
0x3b: {  	[tilespmem:s1+$0x0] =	vst v2;
	v1 =	vld.idx.msk [tilespmem:v6+s15+$0x0], $0xffff  }
0x3c: {  	s22 =	sor.u32 s19, s20;
	v2 =	vld.idx.msk [tilespmem:v7+s15+$0x0], $0xffff;
	v6 =	vor.u32 $0x100, v5  }
0x3d: {  	s23 =	sor.u32 s6, s20;
	v7 =	vor.u32 $0x100, v0;
	[tilespmem:s22+$0x0] =	vst v8  }
0x3e: {  	v8 =	vld.idx.msk [tilespmem:v9+s15+$0x0], $0xffff;
	[tilespmem:s23+$0x0] =	vst v10  }
0x3f: {  	v9 =	vor.u32 $0x100, v4;
	v10 =	vld.idx.msk [tilespmem:v11+s15+$0x0], $0xffff  }
0x40: {  	v11 =	vor.u32 $0x100, v3;
	[tilespmem:s8+$0x80] =	vst v1  }
0x41: {  	[tilespmem:s1+$0x80] =	vst v2;
	v1 =	vld.idx.msk [tilespmem:v6+s15+$0x0], $0xffff  }
0x42: {  	v2 =	vld.idx.msk [tilespmem:v7+s15+$0x0], $0xffff;
	v6 =	vor.u32 $0x180, v5  }
0x43: {  	v7 =	vor.u32 $0x180, v0;
	[tilespmem:s22+$0x80] =	vst v8  }
0x44: {  	v8 =	vld.idx.msk [tilespmem:v9+s15+$0x0], $0xffff;
	[tilespmem:s23+$0x80] =	vst v10  }
0x45: {  	s26 =	simm.s32 $0x40;
	v9 =	vor.u32 $0x180, v4;
	v10 =	vld.idx.msk [tilespmem:v11+s15+$0x0], $0xffff  }
0x46: {  	s25 =	sand.u32 $0x40, s26;
	v11 =	vld [tilespmem:s26+$0x0];
	[tilespmem:s8+$0x100] =	vst v1  }
0x47: {  	s10 =	sand.u32 $0x780, s26;
	s3 =	sor.u32 $0x30, s25;
	[tilespmem:s1+$0x100] =	vst v2;
	v1 =	vld.idx.msk [tilespmem:v6+s15+$0x0], $0xffff  }
0x48: {  	s17 =	sor.u32 s3, s10;
	v2 =	vor.u32 $0x180, v3;
	v6 =	vld.idx.msk [tilespmem:v7+s15+$0x0], $0xffff  }
0x49: {  	s18 =	sor.u32 $0x10, s25;
	v7 =	vor.u32 $0x200, v5;
	[tilespmem:s22+$0x100] =	vst v8;
	v8 =	vld [tilespmem:s17+$0x0]  }
0x4a: {  	s11 =	sor.u32 s18, s10;
	s19 =	sor.u32 $0x20, s25;
	v9 =	vld.idx.msk [tilespmem:v9+s15+$0x0], $0xffff  }
0x4b: {  	v13 =	vld [tilespmem:s11+$0x0];
	s10 =	sor.u32 s19, s10;
	v12 =	vor.u32 $0x200, v4;
	v14 =	vshll.u32 v11, $0x3  }
0x4c: {  	v15 =	vld [tilespmem:s10+$0x0];
	[tilespmem:s23+$0x100] =	vst v10;
	v10 =	vor.u32 $0x200, v0;
	v11 =	vand.u32 $0x7F, v11;
	v14 =	vand.u32 $0xFFFFFC00, v14  }
0x4d: {  	p1 =	por $0x0, $0x0;
	v16 =	vld.idx.msk [tilespmem:v2+s15+$0x0], $0xffff;
	[tilespmem:s8+$0x180] =	vst v1;
	v1 =	vor.u32 v11, v14;
	s8 =	simm.s32 $0x1  }
0x4e: {  	v11 =	vor.u32 $0x200, v3;
	v7 =	vld.idx.msk [tilespmem:v7+s15+$0x0], $0xffff;
	v2 =	vshll.u32 v8, $0x3;
	s8 =	simm.s32 @!p1 $0x0  }
0x4f: {  	v8 =	vand.u32 $0x7F, v8;
	[tilespmem:s22+$0x180] =	vst v9;
	v2 =	vand.u32 $0xFFFFFC00, v2;
	s20 =	sshll.u32 s8, $0x6;
	v9 =	vor.u32 $0x280, v5  }
0x50: {  	v14 =	vor.u32 $0x280, v4;
	[tilespmem:s1+$0x180] =	vst v6;
	v6 =	vld.idx.msk [tilespmem:v12+s15+$0x0], $0xffff;
	v12 =	vshll.u32 v13, $0x3;
	v2 =	vor.u32 v8, v2;
	s1 =	sadd.s32 $0x0, s20  }
0x51: {  	v8 =	vld.idx.msk [tilespmem:v10+s15+$0x0], $0xffff;
	v10 =	vshll.u32 v15, $0x3;
	v13 =	vand.u32 $0x7F, v13;
	v12 =	vand.u32 $0xFFFFFC00, v12;
	s2 =	sadd.s32 $0x30, s1  }
0x52: {  	v10 =	vand.u32 $0xFFFFFC00, v10;
	[tilespmem:s23+$0x180] =	vst v16;
	v17 =	vld.idx.msk [tilespmem:v1+s15+$0x0], $0xffff;
	v21 =	vor.u32 v13, v12;
	v12 =	vand.u32 $0x7F, v15;
	s22 =	sor.u32 $0x200, s2  }
0x53: {  	s23 =	sadd.s32 $0x10, s1;
	v11 =	vld.idx.msk [tilespmem:v11+s15+$0x0], $0xffff;
	v10 =	vor.u32 v12, v10;
	[tilespmem:s22+$0x11000] =	vst v7  }
0x54: {  	s11 =	sor.u32 $0x200, s23;
	v7 =	vor.u32 $0x280, v0;
	v9 =	vld.idx.msk [tilespmem:v9+s15+$0x0], $0xffff  }
0x55: {  	s28 =	simm.s32 $0x200;
	s12 =	sor.u32 $0x200, s1;
	v12 =	vor.u32 $0x280, v3;
	v13 =	vld.idx.msk [tilespmem:v2+s15+$0x0], $0xffff;
	[tilespmem:s11+$0x11000] =	vst v6  }
0x56: {  	s14 =	sand.u32 $0x3C00, s28;
	s10 =	sadd.s32 $0x20, s1;
	[tilespmem:s12+$0x11000] =	vst v8;
	v8 =	vor.u32 $0x80, v1;
	v6 =	vld.idx.msk [tilespmem:v14+s15+$0x0], $0xffff  }
0x57: {  	s8 =	sadd.s32 $0x11000, s14;
	s13 =	sor.u32 $0x200, s10;
	v14 =	vor.u32 $0x300, v5;
	v15 =	vld.idx.msk [tilespmem:v21+s15+$0x0], $0xffff  }
0x58: {  	s14 =	sor.u32 s25, s8;
	v16 =	vor.u32 $0x80, v2;
	[tilespmem:s13+$0x11000] =	vst v11;
	v18 =	vld.idx.msk [tilespmem:v10+s15+$0x0], $0xffff  }
0x59: {  	v19 =	vor.u32 $0x80, v21;
	s12 =	sor.u32 $0x280, s2;
	[tilespmem:s14+$0x0] =	vst v17;
	v22 =	vld.idx.msk [tilespmem:v7+s15+$0x0], $0xffff  }
0x5a: {  	s11 =	sor.u32 s3, s8;
	v7 =	vor.u32 $0x80, v10;
	v11 =	vld.idx.msk [tilespmem:v12+s15+$0x0], $0xffff;
	[tilespmem:s12+$0x11000] =	vst v9  }
0x5b: {  	s17 =	sor.u32 $0x280, s23;
	v9 =	vor.u32 $0x300, v4;
	[tilespmem:s11+$0x0] =	vst v13;
	v8 =	vld.idx.msk [tilespmem:v8+s15+$0x0], $0xffff  }
0x5c: {  	s31 =	sor.u32 s18, s8;
	v13 =	vor.u32 $0x300, v3;
	v12 =	vld.idx.msk [tilespmem:v14+s15+$0x0], $0xffff;
	[tilespmem:s17+$0x11000] =	vst v6  }
0x5d: {  	s3 =	sor.u32 s19, s8;
	v5 =	vor.u32 $0x380, v5;
	v16 =	vld.idx.msk [tilespmem:v16+s15+$0x0], $0xffff;
	[tilespmem:s31+$0x0] =	vst v15  }
0x5e: {  	s18 =	sor.u32 $0x280, s10;
	v17 =	vor.u32 $0x100, v2;
	v15 =	vld.idx.msk [tilespmem:v19+s15+$0x0], $0xffff;
	[tilespmem:s3+$0x0] =	vst v18  }
0x5f: {  	s20 =	sor.u32 $0x280, s1;
	v19 =	vor.u32 $0x100, v1;
	[tilespmem:s18+$0x11000] =	vst v11;
	v7 =	vld.idx.msk [tilespmem:v7+s15+$0x0], $0xffff  }
0x60: {  	s19 =	sor.u32 $0x300, s2;
	v6 =	vor.u32 $0x100, v21;
	[tilespmem:s20+$0x11000] =	vst v22;
	v23 =	vld.idx.msk [tilespmem:v9+s15+$0x0], $0xffff  }
0x61: {  	v20 =	vor.u32 $0x100, v10;
	v14 =	vld.idx.msk [tilespmem:v13+s15+$0x0], $0xffff;
	[tilespmem:s19+$0x11000] =	vst v12  }
0x62: {  	[tilespmem:s11+$0x80] =	vst v16;
	v16 =	vor.u32 $0x300, v0;
	v24 =	vld.idx.msk [tilespmem:v5+s15+$0x0], $0xffff  }
0x63: {  	v25 =	vor.u32 $0x380, v4;
	[tilespmem:s14+$0x80] =	vst v8;
	v18 =	vld.idx.msk [tilespmem:v17+s15+$0x0], $0xffff  }
0x64: {  	v4 =	vor.u32 $0x380, v21;
	v17 =	vld.idx.msk [tilespmem:v19+s15+$0x0], $0xffff;
	[tilespmem:s31+$0x80] =	vst v15  }
0x65: {  	s0 =	simm.s32 $0x4;
	v11 =	vor.u32 $0x200, v21;
	v22 =	vor.u32 $0x180, v2;
	v13 =	vor.u32 $0x180, v21;
	v19 =	vld.idx.msk [tilespmem:v6+s15+$0x0], $0xffff;
	[tilespmem:s3+$0x80] =	vst v7  }
0x66: {  	s7 =	simm.s32 $0x80;
	s25 =	sshll.u32 s24, $0x1;
	s22 =	sor.u32 $0x300, s23;
	v8 =	vor.u32 $0x280, v21;
	v6 =	vor.u32 $0x300, v21;
	v21 =	vor.u32 $0x180, v1;
	v20 =	vld.idx.msk [tilespmem:v20+s15+$0x0], $0xffff  }
0x67: {  	s30 =	sor.u32 $0x300, s10;
	s8 =	sor.u32 $0x380, s23;
	s23 =	sor.u32 $0x380, s2;
	v3 =	vor.u32 $0x380, v3;
	v9 =	vor.u32 $0x200, v10;
	v12 =	vor.u32 $0x180, v10;
	[tilespmem:s22+$0x11000] =	vst v23;
	v15 =	vld.idx.msk [tilespmem:v16+s15+$0x0], $0xffff  }
0x68: {  	s29 =	sor.u32 $0x380, s10;
	s2 =	sor.u32 $0x380, s1;
	s12 =	sor.u32 $0x300, s1;
	v5 =	vor.u32 $0x300, v10;
	v7 =	vor.u32 $0x280, v10;
	v10 =	vor.u32 $0x380, v10;
	v16 =	vld.idx.msk [tilespmem:v25+s15+$0x0], $0xffff;
	[tilespmem:s23+$0x11000] =	vst v24  }
.LBB2_3:
0x69: {  	v23 =	vld [tilespmem:s7+$0x0];
	[tilespmem:s11+$0x100] =	vst v18;
	s26 =	sadd.s32 $0x40, s26  }
0x6a: {  	s0 =	sadd.s32 $0x4, s0;
	s1 =	sand.u32 $0x40, s26;
	[tilespmem:s14+$0x100] =	vst v17;
	v17 =	vld.idx.msk [tilespmem:v22+s15+$0x0], $0xffff  }
0x6b: {  	s10 =	sand.u32 $0x780, s26;
	p2 =	slt.u32 s0, $0x7C;
	s4 =	sor.u32 $0x30, s1;
	v18 =	vld.idx.msk [tilespmem:v21+s15+$0x0], $0xffff;
	[tilespmem:s31+$0x100] =	vst v19  }
0x6c: {  	s23 =	sor.u32 $0x10, s1;
	s6 =	sor.u32 $0x20, s1;
	v19 =	vor.u32 $0x200, v2;
	s13 =	sor.u32 s4, s10;
	v13 =	vld.idx.msk [tilespmem:v13+s15+$0x0], $0xffff;
	[tilespmem:s3+$0x100] =	vst v20  }
0x6d: {  	v21 =	vor.u32 $0x200, v1;
	s17 =	sor.u32 s23, s10;
	s10 =	sor.u32 s6, s10;
	v20 =	vld [tilespmem:s13+$0x0];
	[tilespmem:s30+$0x11000] =	vst v14  }
0x6e: {  	v14 =	vld [tilespmem:s17+$0x0];
	[tilespmem:s12+$0x11000] =	vst v15  }
0x6f: {  	v15 =	vshll.u32 v23, $0x3;
	v22 =	vld [tilespmem:s10+$0x0];
	[tilespmem:s8+$0x11000] =	vst v16  }
0x70: {  	v16 =	vand.u32 $0x7F, v23;
	v15 =	vand.u32 $0xFFFFFC00, v15;
	v12 =	vld.idx.msk [tilespmem:v12+s15+$0x0], $0xffff;
	[tilespmem:s11+$0x180] =	vst v17;
	v17 =	vor.u32 $0x380, v0;
	v0 =	vmovc v1  }
0x71: {  	p1 =	por !p1, !p1;
	s8 =	simm.s32 $0x1;
	v1 =	vor.u32 v16, v15;
	[tilespmem:s14+$0x180] =	vst v18;
	v15 =	vld.idx.msk [tilespmem:v19+s15+$0x0], $0xffff  }
0x72: {  	s8 =	simm.s32 @!p1 $0x0;
	v16 =	vshll.u32 v20, $0x3;
	v18 =	vld.idx.msk [tilespmem:v21+s15+$0x0], $0xffff;
	[tilespmem:s31+$0x180] =	vst v13  }
0x73: {  	s8 =	sshll.u32 s8, $0x6;
	v13 =	vand.u32 $0x7F, v20;
	v16 =	vand.u32 $0xFFFFFC00, v16;
	v19 =	vld.idx.msk [tilespmem:v11+s15+$0x0], $0xffff;
	v11 =	vor.u32 $0x280, v2  }
0x74: {  	s11 =	sadd.s32 s8, s28;
	v20 =	vshll.u32 v14, $0x3;
	v21 =	vshll.u32 v22, $0x3;
	v16 =	vor.u32 v13, v16;
	v23 =	vld.idx.msk [tilespmem:v3+s15+$0x0], $0xffff;
	v3 =	vmovc v10  }
0x75: {  	s8 =	sadd.s32 $0x10, s11;
	s14 =	sadd.s32 $0x20, s11;
	s10 =	sadd.s32 $0x30, s11;
	v10 =	vand.u32 $0x7F, v14;
	v13 =	vand.u32 $0xFFFFFC00, v20;
	v14 =	vand.u32 $0xFFFFFC00, v21;
	v17 =	vld.idx.msk [tilespmem:v17+s15+$0x0], $0xffff  }
0x76: {  	s20 =	sor.u32 $0x200, s8;
	s12 =	sor.u32 $0x200, s10;
	v10 =	vor.u32 v10, v13;
	v13 =	vand.u32 $0x7F, v22;
	v21 =	vor.u32 $0x280, v0;
	v20 =	vld.idx.msk [tilespmem:v1+s15+$0x0], $0xffff;
	[tilespmem:s3+$0x180] =	vst v12;
	s3 =	sor.u32 $0x200, s14  }
0x77: {  	s13 =	sor.u32 $0x200, s11;
	s17 =	sor.u32 $0x280, s8;
	s19 =	sor.u32 $0x280, s14;
	v22 =	vor.u32 $0x80, v10;
	v24 =	vor.u32 $0x100, v10;
	v14 =	vor.u32 v13, v14;
	v25 =	vld.idx.msk [tilespmem:v9+s15+$0x0], $0xffff;
	[tilespmem:s12+$0x11000] =	vst v15  }
0x78: {  	s18 =	sor.u32 $0x280, s11;
	s30 =	sor.u32 $0x300, s14;
	v13 =	vor.u32 $0x180, v10;
	v15 =	vor.u32 $0x80, v14;
	v26 =	vor.u32 $0x100, v14;
	[tilespmem:s13+$0x11000] =	vst v18;
	s13 =	sor.u32 $0x300, s8;
	v18 =	vld.idx.msk [tilespmem:v11+s15+$0x0], $0xffff  }
0x79: {  	s14 =	sor.u32 $0x380, s14;
	v12 =	vor.u32 $0x180, v14;
	v9 =	vor.u32 $0x200, v14;
	s12 =	sor.u32 $0x300, s11;
	v11 =	vor.u32 $0x200, v10;
	s8 =	sor.u32 $0x380, s8;
	v27 =	vld.idx.msk [tilespmem:v16+s15+$0x0], $0xffff;
	[tilespmem:s20+$0x11000] =	vst v19  }
0x7a: {  	v29 =	vor.u32 $0x300, v2;
	s11 =	sor.u32 $0x380, s11;
	v19 =	vor.u32 $0x280, v14;
	v28 =	vld.idx.msk [tilespmem:v8+s15+$0x0], $0xffff;
	v8 =	vor.u32 $0x280, v10;
	[tilespmem:s29+$0x11000] =	vst v23;
	s29 =	smov.u32 s14  }
0x7b: {  	s28 =	sadd.s32 $0x200, s28;
	v32 =	vor.u32 $0x80, v16;
	v30 =	vor.u32 $0x300, v10;
	v31 =	vor.u32 $0x300, v14;
	v23 =	vld.idx.msk [tilespmem:v10+s15+$0x0], $0xffff;
	[tilespmem:s2+$0x11000] =	vst v17;
	s2 =	smov.u32 s11  }
0x7c: {  	v33 =	vor.u32 $0x380, v10;
	s11 =	sand.u32 $0x3C00, s28;
	v17 =	vor.u32 $0x80, v1;
	v10 =	vor.u32 $0x380, v14;
	v34 =	vld.idx.msk [tilespmem:v14+s15+$0x0], $0xffff  }
0x7d: {  	s20 =	sadd.s32 $0x11000, s11;
	v35 =	vld.idx.msk [tilespmem:v21+s15+$0x0], $0xffff;
	[tilespmem:s3+$0x11000] =	vst v25;
	s3 =	sor.u32 $0x280, s10  }
0x7e: {  	s14 =	sor.u32 s1, s20;
	s31 =	sor.u32 s23, s20;
	s11 =	sor.u32 s4, s20;
	v14 =	vld.idx.msk [tilespmem:v7+s15+$0x0], $0xffff;
	[tilespmem:s3+$0x11000] =	vst v18;
	v7 =	vmov v19  }
0x7f: {  	s3 =	sor.u32 s6, s20;
	[tilespmem:s11+$0x0] =	vst v27;
	v18 =	vld.idx.msk [tilespmem:v29+s15+$0x0], $0xffff  }
0x80: {  	[tilespmem:s14+$0x0] =	vst v20;
	v19 =	vld.idx.msk [tilespmem:v32+s15+$0x0], $0xffff  }
0x81: {  	v20 =	vor.u32 $0x380, v2;
	v2 =	vmov v16;
	v17 =	vld.idx.msk [tilespmem:v17+s15+$0x0], $0xffff;
	[tilespmem:s31+$0x0] =	vst v23  }
0x82: {  	v21 =	vor.u32 $0x100, v2;
	v16 =	vld.idx.msk [tilespmem:v22+s15+$0x0], $0xffff;
	[tilespmem:s3+$0x0] =	vst v34  }
0x83: {  	v22 =	vor.u32 $0x100, v1;
	v15 =	vld.idx.msk [tilespmem:v15+s15+$0x0], $0xffff;
	[tilespmem:s17+$0x11000] =	vst v28  }
0x84: {  	s1 =	sor.u32 $0x300, s10;
	v23 =	vld.idx.msk [tilespmem:v6+s15+$0x0], $0xffff;
	[tilespmem:s19+$0x11000] =	vst v14;
	v6 =	vmov v30  }
0x85: {  	v14 =	vld.idx.msk [tilespmem:v5+s15+$0x0], $0xffff;
	[tilespmem:s1+$0x11000] =	vst v18;
	v5 =	vmov v31  }
0x86: {  	v25 =	vor.u32 $0x300, v0;
	[tilespmem:s11+$0x80] =	vst v19;
	v27 =	vld.idx.msk [tilespmem:v20+s15+$0x0], $0xffff  }
0x87: {  	[tilespmem:s14+$0x80] =	vst v17;
	v18 =	vld.idx.msk [tilespmem:v21+s15+$0x0], $0xffff  }
.Ltmp2:
0x88: {  	v17 =	vld.idx.msk [tilespmem:v22+s15+$0x0], $0xffff;
	[tilespmem:s31+$0x80] =	vst v16;
	(pc) =	sbr.rel @p2 .LBB2_3-.Ltmp2, $4  }
0x89: {  	v22 =	vor.u32 $0x180, v2;
	v19 =	vld.idx.msk [tilespmem:v24+s15+$0x0], $0xffff;
	[tilespmem:s3+$0x80] =	vst v15  }
0x8a: {  	v21 =	vor.u32 $0x180, v1;
	v20 =	vld.idx.msk [tilespmem:v26+s15+$0x0], $0xffff;
	[tilespmem:s18+$0x11000] =	vst v35  }
0x8b: {  	s1 =	sor.u32 $0x380, s10;
	v15 =	vld.idx.msk [tilespmem:v25+s15+$0x0], $0xffff;
	[tilespmem:s13+$0x11000] =	vst v23  }
0x8c: {  	s7 =	sadd.s32 $0x40, s7;
	v16 =	vld.idx.msk [tilespmem:v4+s15+$0x0], $0xffff;
	[tilespmem:s1+$0x11000] =	vst v27;
	v4 =	vmov v33  }
0x8d: {  	_ =	sdelay $0x2  }
0x8e: {  	[tilespmem:s11+$0x100] =	vst v18  }
0x8f: {  	v18 =	vld.idx.msk [tilespmem:v22+s15+$0x0], $0xffff;
	[tilespmem:s31+$0x100] =	vst v19  }
0x90: {  	v19 =	vor.u32 $0x200, v2;
	v13 =	vld.idx.msk [tilespmem:v13+s15+$0x0], $0xffff;
	[tilespmem:s3+$0x100] =	vst v20  }
0x91: {  	v12 =	vld.idx.msk [tilespmem:v12+s15+$0x0], $0xffff;
	_ =	sdelay $0x1  }
0x92: {  	[tilespmem:s14+$0x100] =	vst v17  }
0x93: {  	p1 =	por !p1, !p1;
	s0 =	simm.s32 $0x1;
	v17 =	vld.idx.msk [tilespmem:v21+s15+$0x0], $0xffff;
	[tilespmem:s11+$0x180] =	vst v18  }
0x94: {  	v61 =	vor.u32 $0x200, v1;
	s0 =	simm.s32 @!p1 $0x0;
	v18 =	vld.idx.msk [tilespmem:v19+s15+$0x0], $0xffff;
	[tilespmem:s31+$0x180] =	vst v13  }
0x95: {  	s0 =	sshll.u32 s0, $0x6;
	v13 =	vor.u32 $0x280, v2;
	v11 =	vld.idx.msk [tilespmem:v11+s15+$0x0], $0xffff;
	[tilespmem:s3+$0x180] =	vst v12  }
0x96: {  	s0 =	sadd.s32 s0, s28;
	v9 =	vld.idx.msk [tilespmem:v9+s15+$0x0], $0xffff  }
0x97: {  	s1 =	sadd.s32 $0x30, s0  }
0x98: {  	s10 =	sadd.s32 $0x10, s0;
	s4 =	sor.u32 $0x200, s1;
	[tilespmem:s14+$0x180] =	vst v17  }
0x99: {  	s6 =	sadd.s32 $0x20, s0;
	s7 =	sor.u32 $0x200, s10;
	v12 =	vld.idx.msk [tilespmem:v61+s15+$0x0], $0xffff;
	[tilespmem:s4+$0x11000] =	vst v18  }
0x9a: {  	v17 =	vor.u32 $0x280, v1;
	s11 =	sor.u32 $0x200, s6;
	v13 =	vld.idx.msk [tilespmem:v13+s15+$0x0], $0xffff;
	[tilespmem:s7+$0x11000] =	vst v11  }
0x9b: {  	v11 =	vor.u32 $0x300, v2;
	v8 =	vld.idx.msk [tilespmem:v8+s15+$0x0], $0xffff;
	[tilespmem:s11+$0x11000] =	vst v9  }
0x9c: {  	v7 =	vld.idx.msk [tilespmem:v7+s15+$0x0], $0xffff  }
0x9d: {  	[tilespmem:s30+$0x11000] =	vst v14;
	s13 =	sor.u32 $0x200, s0  }
0x9e: {  	s14 =	sor.u32 $0x280, s1;
	[tilespmem:s13+$0x11000] =	vst v12  }
0x9f: {  	v0 =	vor.u32 $0x380, v0;
	s17 =	sor.u32 $0x280, s10;
	v9 =	vld.idx.msk [tilespmem:v17+s15+$0x0], $0xffff;
	[tilespmem:s14+$0x11000] =	vst v13  }
0xa0: {  	s18 =	sor.u32 $0x280, s6;
	v12 =	vor.u32 $0x300, v1;
	v11 =	vld.idx.msk [tilespmem:v11+s15+$0x0], $0xffff;
	[tilespmem:s17+$0x11000] =	vst v8  }
0xa1: {  	v2 =	vor.u32 $0x380, v2;
	v6 =	vld.idx.msk [tilespmem:v6+s15+$0x0], $0xffff;
	[tilespmem:s18+$0x11000] =	vst v7  }
0xa2: {  	[tilespmem:s12+$0x11000] =	vst v15;
	v5 =	vld.idx.msk [tilespmem:v5+s15+$0x0], $0xffff  }
0xa3: {  	v3 =	vld.idx.msk [tilespmem:v3+s15+$0x0], $0xffff;
	s19 =	sor.u32 $0x280, s0;
	[tilespmem:s8+$0x11000] =	vst v16  }
0xa4: {  	s20 =	sor.u32 $0x300, s1;
	v0 =	vld.idx.msk [tilespmem:v0+s15+$0x0], $0xffff;
	[tilespmem:s19+$0x11000] =	vst v9  }
0xa5: {  	s22 =	sor.u32 $0x300, s10;
	v7 =	vld.idx.msk [tilespmem:v12+s15+$0x0], $0xffff;
	[tilespmem:s20+$0x11000] =	vst v11  }
0xa6: {  	s23 =	sor.u32 $0x300, s6;
	v1 =	vor.u32 $0x380, v1;
	v2 =	vld.idx.msk [tilespmem:v2+s15+$0x0], $0xffff;
	[tilespmem:s22+$0x11000] =	vst v6  }
0xa7: {  	v4 =	vld.idx.msk [tilespmem:v4+s15+$0x0], $0xffff;
	[tilespmem:s23+$0x11000] =	vst v5  }
0xa8: {  	[tilespmem:s29+$0x11000] =	vst v3;
	v5 =	vld.idx.msk [tilespmem:v10+s15+$0x0], $0xffff  }
0xa9: {  	s26 =	sor.u32 $0x300, s0;
	[tilespmem:s2+$0x11000] =	vst v0  }
0xaa: {  	s1 =	sor.u32 $0x380, s1;
	[tilespmem:s26+$0x11000] =	vst v7  }
0xab: {  	s4 =	sor.u32 $0x380, s10;
	v1 =	vld.idx.msk [tilespmem:v1+s15+$0x0], $0xffff;
	[tilespmem:s1+$0x11000] =	vst v2  }
0xac: {  	s6 =	sor.u32 $0x380, s6;
	[tilespmem:s4+$0x11000] =	vst v4  }
0xad: {  	[tilespmem:s6+$0x11000] =	vst v5  }
0xae: {  	s26 =	sshll.u32 s24, $0xD;
	s1 =	rddreg [dreg:$0x4]  }
0xaf: {  	s0 =	sor.u32 $0x380, s0;
	s28 =	sadd.s32 s1, s26  }
0xb0: {  	s8 =	simm.s32 $0x11000;
	[tilespmem:s0+$0x11000] =	vst v1;
	s0 =	simm.s32 @!p0 $0x4;
	s7 =	sadd.s32 s21, s28  }
0xb1: {  	[hbm4b:s7+s5] =	stream.linear.scatter [tilespmem:s8], [sflag:$0x3], $0x4000, $0x38;
	[tilespmem:$0x19000] =	vst v63  }
0xb2: {  	_ =	swait.ge @!p0 [sflag:s0], $0x4000  }
0xb3: {  	s10 =	simm.s32 $0x0;
	[sflag:s0] =	ssyncset.done @!p0 $0x0  }
0xb4: {  	s11 =	sand.u32 $0x7C0, s10;
	[sflag:s0] =	ssyncadd.s32 @!p0 $0xFFFFC000  }
0xb5: {  	v0 =	vld [tilespmem:s11+$0x800];
	_ =	sdelay $0x4  }
0xb6: {  	s12 =	simm.s32 $0x830;
	v1 =	vshll.u32 v0, $0x3  }
0xb7: {  	v2 =	vld [tilespmem:s12+$0xFFFFFFE0];
	v0 =	vand.u32 $0x7F, v0;
	v1 =	vand.u32 $0xFFFFFC00, v1  }
0xb8: {  	v8 =	vor.u32 v0, v1  }
0xb9: {  	v0 =	vld [tilespmem:s12+$0xFFFFFFF0]  }
0xba: {  	v3 =	vld [tilespmem:s12+$0x0];
	_ =	sdelay $0x1  }
0xbb: {  	v1 =	vshll.u32 v2, $0x3  }
0xbc: {  	v2 =	vand.u32 $0x7F, v2;
	v1 =	vand.u32 $0xFFFFFC00, v1;
	v4 =	vld.idx.msk [tilespmem:v8+s15+$0x0], $0xffff  }
0xbd: {  	v5 =	vor.u32 $0x80, v8;
	v2 =	vor.u32 v2, v1;
	v1 =	vshll.u32 v0, $0x3  }
0xbe: {  	v6 =	vshll.u32 v3, $0x3;
	v0 =	vand.u32 $0x7F, v0;
	v1 =	vand.u32 $0xFFFFFC00, v1  }
0xbf: {  	s13 =	sand.u32 $0x40, s10;
	s1 =	sand.u32 $0x3C00, s10;
	v1 =	vor.u32 v0, v1;
	v0 =	vand.u32 $0x7F, v3;
	v3 =	vand.u32 $0xFFFFFC00, v6  }
0xc0: {  	s0 =	sor.u32 s13, s1;
	v0 =	vor.u32 v0, v3  }
0xc1: {  	[tilespmem:s0+$0x15000] =	vst v4  }
0xc2: {  	v3 =	vld.idx.msk [tilespmem:v5+s15+$0x0], $0xffff  }
0xc3: {  	v4 =	vor.u32 $0x100, v8;
	v5 =	vld.idx.msk [tilespmem:v2+s15+$0x0], $0xffff  }
0xc4: {  	v7 =	vor.u32 $0x80, v2;
	v6 =	vld.idx.msk [tilespmem:v1+s15+$0x0], $0xffff  }
0xc5: {  	v10 =	vor.u32 $0x80, v1;
	v9 =	vld.idx.msk [tilespmem:v0+s15+$0x0], $0xffff  }
0xc6: {  	v11 =	vor.u32 $0x80, v0;
	s0 =	sadd.s32 $0x15000, s0  }
0xc7: {  	[tilespmem:s0+$0x80] =	vst v3  }
0xc8: {  	[tilespmem:s0+$0x10] =	vst v5;
	v3 =	vld.idx.msk [tilespmem:v4+s15+$0x0], $0xffff  }
0xc9: {  	v5 =	vor.u32 $0x180, v8;
	v7 =	vld.idx.msk [tilespmem:v7+s15+$0x0], $0xffff;
	[tilespmem:s0+$0x20] =	vst v6  }
0xca: {  	v6 =	vld.idx.msk [tilespmem:v10+s15+$0x0], $0xffff;
	[tilespmem:s0+$0x30] =	vst v9;
	v9 =	vor.u32 $0x100, v2  }
0xcb: {  	s14 =	simm.s32 $0x870;
	v10 =	vld.idx.msk [tilespmem:v11+s15+$0x0], $0xffff  }
0xcc: {  	v12 =	vld [tilespmem:s14+$0xFFFFFFF0];
	v11 =	vor.u32 $0x100, v1  }
0xcd: {  	v4 =	vld [tilespmem:s14+$0xFFFFFFE0];
	[tilespmem:s0+$0x100] =	vst v3;
	v3 =	vor.u32 $0x100, v0  }
0xce: {  	s31 =	simm.s32 $0x40;
	[tilespmem:s0+$0x90] =	vst v7;
	v5 =	vld.idx.msk [tilespmem:v5+s15+$0x0], $0xffff  }
0xcf: {  	s17 =	sand.u32 $0x7C0, s31;
	v7 =	vor.u32 $0x200, v8;
	v9 =	vld.idx.msk [tilespmem:v9+s15+$0x0], $0xffff;
	[tilespmem:s0+$0xA0] =	vst v6  }
0xd0: {  	v13 =	vld [tilespmem:s17+$0x800];
	[tilespmem:s0+$0xB0] =	vst v10;
	v10 =	vor.u32 $0x180, v2  }
0xd1: {  	v6 =	vld.idx.msk [tilespmem:v11+s15+$0x0], $0xffff  }
0xd2: {  	v11 =	vor.u32 $0x180, v1;
	v14 =	vld.idx.msk [tilespmem:v3+s15+$0x0], $0xffff;
	v3 =	vshll.u32 v4, $0x3  }
0xd3: {  	v15 =	vld [tilespmem:s14+$0x0];
	v4 =	vand.u32 $0x7F, v4;
	[tilespmem:s0+$0x180] =	vst v5;
	v5 =	vor.u32 $0x180, v0;
	v3 =	vand.u32 $0xFFFFFC00, v3  }
0xd4: {  	p0 =	por $0x0, $0x0;
	s1 =	simm.s32 $0x1;
	[tilespmem:s0+$0x110] =	vst v9;
	v16 =	vld.idx.msk [tilespmem:v7+s15+$0x0], $0xffff;
	v4 =	vor.u32 v4, v3  }
0xd5: {  	s1 =	simm.s32 @!p0 $0x0;
	v9 =	vor.u32 $0x280, v8;
	v7 =	vshll.u32 v13, $0x3;
	v10 =	vld.idx.msk [tilespmem:v10+s15+$0x0], $0xffff  }
0xd6: {  	s1 =	sshll.u32 s1, $0x6;
	v3 =	vand.u32 $0x7F, v13;
	[tilespmem:s0+$0x120] =	vst v6;
	v13 =	vor.u32 $0x200, v2;
	v7 =	vand.u32 $0xFFFFFC00, v7  }
0xd7: {  	s8 =	sadd.s32 $0x0, s1;
	v11 =	vld.idx.msk [tilespmem:v11+s15+$0x0], $0xffff;
	v3 =	vor.u32 v3, v7;
	[tilespmem:s0+$0x130] =	vst v14  }
0xd8: {  	s1 =	sor.u32 $0x200, s8;
	v6 =	vshll.u32 v12, $0x3;
	v14 =	vld.idx.msk [tilespmem:v5+s15+$0x0], $0xffff;
	v5 =	vand.u32 $0x7F, v12;
	v12 =	vor.u32 $0x200, v1  }
0xd9: {  	v17 =	vshll.u32 v15, $0x3;
	v6 =	vand.u32 $0xFFFFFC00, v6;
	v7 =	vld.idx.msk [tilespmem:v4+s15+$0x0], $0xffff;
	[tilespmem:s1+$0x15000] =	vst v16;
	v16 =	vor.u32 $0x200, v0  }
0xda: {  	v6 =	vor.u32 v5, v6;
	v5 =	vand.u32 $0x7F, v15;
	v15 =	vand.u32 $0xFFFFFC00, v17;
	[tilespmem:s0+$0x190] =	vst v10;
	v17 =	vld.idx.msk [tilespmem:v9+s15+$0x0], $0xffff  }
0xdb: {  	v5 =	vor.u32 v5, v15;
	v18 =	vld.idx.msk [tilespmem:v13+s15+$0x0], $0xffff  }
0xdc: {  	[tilespmem:s0+$0x1A0] =	vst v11;
	v11 =	vor.u32 $0x300, v8;
	v10 =	vld.idx.msk [tilespmem:v3+s15+$0x0], $0xffff  }
0xdd: {  	s2 =	simm.s32 $0x200;
	v15 =	vor.u32 $0x80, v3;
	v19 =	vld.idx.msk [tilespmem:v12+s15+$0x0], $0xffff;
	[tilespmem:s0+$0x1B0] =	vst v14  }
0xde: {  	s19 =	sand.u32 $0x3C00, s2;
	v14 =	vor.u32 $0x280, v2;
	v16 =	vld.idx.msk [tilespmem:v16+s15+$0x0], $0xffff  }
0xdf: {  	s18 =	sand.u32 $0x40, s31;
	s22 =	smov.u32 s21;
	s20 =	sor.u32 $0x280, s8;
	v62 =	vor.u32 $0x280, v1;
	v9 =	vld.idx.msk [tilespmem:v6+s15+$0x0], $0xffff  }
0xe0: {  	s6 =	sor.u32 s18, s19;
	s10 =	sadd.s32 $0x10, s8;
	s13 =	sadd.s32 $0x20, s8;
	v63 =	vor.u32 $0x280, v0;
	v12 =	vld.idx.msk [tilespmem:v5+s15+$0x0], $0xffff;
	[tilespmem:s20+$0x15000] =	vst v17  }
0xe1: {  	s17 =	sadd.s32 $0x30, s8;
	s21 =	sor.u32 $0x200, s10;
	s23 =	sor.u32 $0x200, s13;
	[tilespmem:s6+$0x15000] =	vst v10;
	v13 =	vld.idx.msk [tilespmem:v11+s15+$0x0], $0xffff  }
0xe2: {  	s4 =	sor.u32 $0x280, s10;
	s18 =	sor.u32 $0x200, s17;
	s7 =	sor.u32 $0x300, s10;
	[tilespmem:s21+$0x15000] =	vst v18;
	v15 =	vld.idx.msk [tilespmem:v15+s15+$0x0], $0xffff  }
0xe3: {  	s11 =	sor.u32 $0x280, s17;
	s29 =	sor.u32 $0x380, s13;
	s3 =	sor.u32 $0x300, s17;
	v10 =	vld.idx.msk [tilespmem:v14+s15+$0x0], $0xffff;
	[tilespmem:s23+$0x15000] =	vst v19;
	v14 =	vor.u32 $0x380, v8  }
0xe4: {  	s30 =	sor.u32 $0x380, s17;
	s12 =	sor.u32 $0x300, s13;
	s14 =	simm.s32 $0x4;
	v11 =	vld.idx.msk [tilespmem:v62+s15+$0x0], $0xffff;
	[tilespmem:s18+$0x15000] =	vst v16;
	v16 =	vor.u32 $0x100, v3  }
0xe5: {  	s1 =	sor.u32 $0x280, s13;
	s0 =	sor.u32 $0x380, s10;
	v17 =	vor.u32 $0x80, v4;
	s23 =	simm.s32 $0x8B0;
	v8 =	vld.idx.msk [tilespmem:v63+s15+$0x0], $0xffff  }
.LBB2_5:
0xe6: {  	v18 =	vld [tilespmem:s23+$0xFFFFFFE0];
	v19 =	vor.u32 $0x80, v6;
	s10 =	sor.u32 $0x300, s8  }
0xe7: {  	s6 =	sadd.s32 $0x15000, s6;
	v21 =	vor.u32 $0x80, v5;
	v20 =	vld [tilespmem:s23+$0xFFFFFFF0];
	[tilespmem:s10+$0x15000] =	vst v13  }
0xe8: {  	[tilespmem:s6+$0x80] =	vst v15;
	v13 =	vld.idx.msk [tilespmem:v14+s15+$0x0], $0xffff;
	v14 =	vor.u32 $0x300, v2  }
0xe9: {  	v15 =	vld.idx.msk [tilespmem:v16+s15+$0x0], $0xffff;
	[tilespmem:s6+$0x10] =	vst v7;
	v7 =	vor.u32 $0x300, v1  }
0xea: {  	v16 =	vld.idx.msk [tilespmem:v17+s15+$0x0], $0xffff;
	[tilespmem:s6+$0x20] =	vst v9  }
0xeb: {  	v9 =	vor.u32 $0x180, v3;
	v17 =	vld.idx.msk [tilespmem:v19+s15+$0x0], $0xffff;
	[tilespmem:s6+$0x30] =	vst v12  }
0xec: {  	v12 =	vor.u32 $0x100, v4;
	v19 =	vld.idx.msk [tilespmem:v21+s15+$0x0], $0xffff;
	[tilespmem:s4+$0x15000] =	vst v10  }
0xed: {  	v10 =	vor.u32 $0x100, v6;
	s4 =	sor.u32 $0x380, s8;
	v14 =	vld.idx.msk [tilespmem:v14+s15+$0x0], $0xffff;
	[tilespmem:s1+$0x15000] =	vst v11  }
0xee: {  	[tilespmem:s4+$0x15000] =	vst v13;
	v7 =	vld.idx.msk [tilespmem:v7+s15+$0x0], $0xffff  }
0xef: {  	v13 =	vor.u32 $0x100, v5;
	v11 =	vld [tilespmem:s23+$0x0];
	[tilespmem:s6+$0x100] =	vst v15  }
0xf0: {  	v15 =	vor.u32 $0x300, v0;
	v9 =	vld.idx.msk [tilespmem:v9+s15+$0x0], $0xffff;
	[tilespmem:s6+$0x90] =	vst v16  }
0xf1: {  	s31 =	sadd.s32 $0x40, s31;
	v16 =	vor.u32 $0x380, v2;
	v2 =	vmov v4;
	v12 =	vld.idx.msk [tilespmem:v12+s15+$0x0], $0xffff;
	[tilespmem:s6+$0xA0] =	vst v17  }
0xf2: {  	s14 =	sadd.s32 $0x4, s14;
	s1 =	sand.u32 $0x7C0, s31;
	v4 =	vor.u32 $0x200, v3;
	v10 =	vld.idx.msk [tilespmem:v10+s15+$0x0], $0xffff;
	[tilespmem:s6+$0xB0] =	vst v19  }
0xf3: {  	p1 =	slt.u32 s14, $0x7C;
	v19 =	vor.u32 $0x180, v2;
	v17 =	vld [tilespmem:s1+$0x800];
	[tilespmem:s11+$0x15000] =	vst v8  }
0xf4: {  	v8 =	vor.u32 $0x180, v6;
	v13 =	vld.idx.msk [tilespmem:v13+s15+$0x0], $0xffff;
	[tilespmem:s7+$0x15000] =	vst v14  }
0xf5: {  	[tilespmem:s12+$0x15000] =	vst v7;
	v7 =	vor.u32 $0x380, v1;
	v14 =	vld.idx.msk [tilespmem:v15+s15+$0x0], $0xffff;
	v1 =	vmov v6  }
0xf6: {  	v6 =	vshll.u32 v18, $0x3;
	[tilespmem:s6+$0x180] =	vst v9;
	v9 =	vor.u32 $0x180, v5;
	v15 =	vld.idx.msk [tilespmem:v16+s15+$0x0], $0xffff  }
0xf7: {  	v16 =	vand.u32 $0x7F, v18;
	v6 =	vand.u32 $0xFFFFFC00, v6;
	v18 =	vld.idx.msk [tilespmem:v4+s15+$0x0], $0xffff;
	[tilespmem:s6+$0x110] =	vst v12;
	v12 =	vor.u32 $0x380, v0;
	v0 =	vmovc v5  }
0xf8: {  	p0 =	por !p0, !p0;
	s1 =	simm.s32 $0x1;
	v4 =	vor.u32 v16, v6;
	v5 =	vshll.u32 v17, $0x3;
	v16 =	vld.idx.msk [tilespmem:v19+s15+$0x0], $0xffff;
	[tilespmem:s6+$0x120] =	vst v10  }
0xf9: {  	s1 =	simm.s32 @!p0 $0x0;
	v6 =	vand.u32 $0x7F, v17;
	v10 =	vor.u32 $0x280, v3;
	v5 =	vand.u32 $0xFFFFFC00, v5;
	v8 =	vld.idx.msk [tilespmem:v8+s15+$0x0], $0xffff  }
0xfa: {  	s1 =	sshll.u32 s1, $0x6;
	v17 =	vor.u32 v6, v5;
	[tilespmem:s6+$0x130] =	vst v13;
	v13 =	vld.idx.msk [tilespmem:v7+s15+$0x0], $0xffff  }
0xfb: {  	s8 =	sadd.s32 s1, s2;
	v19 =	vor.u32 $0x200, v2;
	v9 =	vld.idx.msk [tilespmem:v9+s15+$0x0], $0xffff;
	[tilespmem:s3+$0x15000] =	vst v14  }
0xfc: {  	s1 =	sor.u32 $0x200, s8;
	s10 =	sadd.s32 $0x20, s8;
	v5 =	vand.u32 $0x7F, v20;
	v6 =	vshll.u32 v20, $0x3;
	s3 =	sadd.s32 $0x10, s8;
	v14 =	vor.u32 $0x200, v1;
	[tilespmem:s0+$0x15000] =	vst v15;
	v12 =	vld.idx.msk [tilespmem:v12+s15+$0x0], $0xffff  }
0xfd: {  	s18 =	sadd.s32 $0x30, s8;
	s17 =	sor.u32 $0x200, s10;
	v6 =	vand.u32 $0xFFFFFC00, v6;
	v15 =	vshll.u32 v11, $0x3;
	s13 =	sor.u32 $0x200, s3;
	v7 =	vld.idx.msk [tilespmem:v4+s15+$0x0], $0xffff;
	[tilespmem:s1+$0x15000] =	vst v18;
	v18 =	vor.u32 $0x200, v0  }
0xfe: {  	s19 =	sor.u32 $0x200, s18;
	v6 =	vor.u32 v5, v6;
	v5 =	vand.u32 $0x7F, v11;
	s4 =	sor.u32 $0x280, s3;
	v11 =	vand.u32 $0xFFFFFC00, v15;
	s1 =	sor.u32 $0x280, s10;
	v10 =	vld.idx.msk [tilespmem:v10+s15+$0x0], $0xffff;
	[tilespmem:s6+$0x190] =	vst v16  }
0xff: {  	s12 =	sor.u32 $0x300, s10;
	s11 =	sor.u32 $0x280, s18;
	s7 =	sor.u32 $0x300, s3;
	v5 =	vor.u32 v5, v11;
	v15 =	vld.idx.msk [tilespmem:v17+s15+$0x0], $0xffff;
	[tilespmem:s6+$0x1A0] =	vst v8  }
0x100: {  	s0 =	sor.u32 $0x380, s3;
	s3 =	sor.u32 $0x300, s18;
	v8 =	vor.u32 $0x300, v3;
	v11 =	vld.idx.msk [tilespmem:v19+s15+$0x0], $0xffff;
	[tilespmem:s29+$0x15000] =	vst v13;
	s29 =	sor.u32 $0x380, s10  }
0x101: {  	v16 =	vor.u32 $0x80, v17;
	v19 =	vld.idx.msk [tilespmem:v14+s15+$0x0], $0xffff;
	[tilespmem:s6+$0x1B0] =	vst v9;
	s6 =	sor.u32 $0x380, s18  }
0x102: {  	s2 =	sadd.s32 $0x200, s2;
	v20 =	vor.u32 $0x280, v2;
	v18 =	vld.idx.msk [tilespmem:v18+s15+$0x0], $0xffff;
	[tilespmem:s30+$0x15000] =	vst v12;
	s30 =	smov.u32 s6  }
0x103: {  	v21 =	vor.u32 $0x280, v1;
	s10 =	sand.u32 $0x3C00, s2;
	s18 =	sor.u32 $0x280, s8;
	s6 =	sand.u32 $0x40, s31;
	v9 =	vld.idx.msk [tilespmem:v6+s15+$0x0], $0xffff  }
0x104: {  	v22 =	vor.u32 $0x280, v0;
	s6 =	sor.u32 s6, s10;
	v12 =	vld.idx.msk [tilespmem:v5+s15+$0x0], $0xffff;
	[tilespmem:s18+$0x15000] =	vst v10  }
.Ltmp3:
0x105: {  	[tilespmem:s6+$0x15000] =	vst v15;
	v13 =	vld.idx.msk [tilespmem:v8+s15+$0x0], $0xffff;
	(pc) =	sbr.rel @p1 .LBB2_5-.Ltmp3, $4  }
0x106: {  	v15 =	vld.idx.msk [tilespmem:v16+s15+$0x0], $0xffff;
	[tilespmem:s13+$0x15000] =	vst v11  }
0x107: {  	v14 =	vor.u32 $0x380, v3;
	v3 =	vmov v17;
	v10 =	vld.idx.msk [tilespmem:v20+s15+$0x0], $0xffff;
	[tilespmem:s17+$0x15000] =	vst v19  }
0x108: {  	v16 =	vor.u32 $0x100, v3;
	v11 =	vld.idx.msk [tilespmem:v21+s15+$0x0], $0xffff;
	[tilespmem:s19+$0x15000] =	vst v18  }
0x109: {  	s23 =	sadd.s32 $0x40, s23;
	v17 =	vor.u32 $0x80, v4;
	v8 =	vld.idx.msk [tilespmem:v22+s15+$0x0], $0xffff  }
0x10a: {  	v18 =	vor.u32 $0x80, v6  }
0x10b: {  	v19 =	vor.u32 $0x80, v5  }
0x10c: {  	s6 =	sadd.s32 $0x15000, s6  }
0x10d: {  	[tilespmem:s6+$0x10] =	vst v7  }
0x10e: {  	[tilespmem:s6+$0x20] =	vst v9;
	v7 =	vld.idx.msk [tilespmem:v17+s15+$0x0], $0xffff  }
0x10f: {  	[tilespmem:s6+$0x30] =	vst v12;
	v12 =	vor.u32 $0x100, v4;
	v9 =	vld.idx.msk [tilespmem:v18+s15+$0x0], $0xffff  }
0x110: {  	v17 =	vld.idx.msk [tilespmem:v19+s15+$0x0], $0xffff;
	v18 =	vor.u32 $0x100, v6  }
0x111: {  	v19 =	vor.u32 $0x100, v5  }
0x112: {  	[tilespmem:s6+$0x80] =	vst v15  }
0x113: {  	v15 =	vld.idx.msk [tilespmem:v16+s15+$0x0], $0xffff;
	[tilespmem:s6+$0x90] =	vst v7  }
0x114: {  	v7 =	vor.u32 $0x180, v3;
	v12 =	vld.idx.msk [tilespmem:v12+s15+$0x0], $0xffff;
	[tilespmem:s6+$0xA0] =	vst v9  }
0x115: {  	v16 =	vor.u32 $0x180, v4;
	[tilespmem:s6+$0xB0] =	vst v17;
	v9 =	vld.idx.msk [tilespmem:v18+s15+$0x0], $0xffff  }
0x116: {  	s10 =	sor.u32 $0x300, s8;
	v17 =	vor.u32 $0x180, v6;
	v18 =	vld.idx.msk [tilespmem:v19+s15+$0x0], $0xffff  }
0x117: {  	[tilespmem:s10+$0x15000] =	vst v13;
	v13 =	vor.u32 $0x180, v5  }
0x118: {  	[tilespmem:s6+$0x100] =	vst v15  }
0x119: {  	v7 =	vld.idx.msk [tilespmem:v7+s15+$0x0], $0xffff;
	[tilespmem:s6+$0x110] =	vst v12  }
0x11a: {  	v12 =	vor.u32 $0x200, v3;
	v15 =	vld.idx.msk [tilespmem:v16+s15+$0x0], $0xffff;
	[tilespmem:s6+$0x120] =	vst v9  }
0x11b: {  	v16 =	vor.u32 $0x200, v4;
	[tilespmem:s6+$0x130] =	vst v18;
	v9 =	vld.idx.msk [tilespmem:v17+s15+$0x0], $0xffff  }
0x11c: {  	[tilespmem:s4+$0x15000] =	vst v10;
	v10 =	vld.idx.msk [tilespmem:v13+s15+$0x0], $0xffff;
	v13 =	vor.u32 $0x200, v6  }
0x11d: {  	v14 =	vld.idx.msk [tilespmem:v14+s15+$0x0], $0xffff;
	[tilespmem:s1+$0x15000] =	vst v11;
	v11 =	vor.u32 $0x200, v5  }
0x11e: {  	v17 =	vor.u32 $0x300, v2;
	[tilespmem:s6+$0x180] =	vst v7  }
0x11f: {  	p0 =	por !p0, !p0;
	s1 =	simm.s32 $0x1;
	v7 =	vor.u32 $0x300, v1;
	v12 =	vld.idx.msk [tilespmem:v12+s15+$0x0], $0xffff;
	[tilespmem:s6+$0x190] =	vst v15  }
0x120: {  	s1 =	simm.s32 @!p0 $0x0;
	v15 =	vor.u32 $0x280, v3;
	[tilespmem:s6+$0x1A0] =	vst v9;
	v9 =	vld.idx.msk [tilespmem:v16+s15+$0x0], $0xffff  }
0x121: {  	s18 =	sor.u32 $0x380, s8;
	s1 =	sshll.u32 s1, $0x6;
	[tilespmem:s6+$0x1B0] =	vst v10;
	v10 =	vor.u32 $0x280, v4;
	v13 =	vld.idx.msk [tilespmem:v13+s15+$0x0], $0xffff  }
0x122: {  	s1 =	sadd.s32 s1, s2;
	[tilespmem:s18+$0x15000] =	vst v14;
	v14 =	vor.u32 $0x280, v6;
	v11 =	vld.idx.msk [tilespmem:v11+s15+$0x0], $0xffff  }
0x123: {  	[tilespmem:s11+$0x15000] =	vst v8;
	v8 =	vor.u32 $0x280, v5;
	s19 =	sor.u32 $0x200, s1;
	s2 =	sadd.s32 $0x10, s1;
	v16 =	vld.idx.msk [tilespmem:v17+s15+$0x0], $0xffff  }
0x124: {  	s20 =	sor.u32 $0x200, s2;
	v7 =	vld.idx.msk [tilespmem:v7+s15+$0x0], $0xffff;
	v17 =	vor.u32 $0x300, v0;
	s6 =	sadd.s32 $0x20, s1;
	[tilespmem:s19+$0x15000] =	vst v12  }
0x125: {  	s10 =	sadd.s32 $0x30, s1;
	v2 =	vor.u32 $0x380, v2;
	s21 =	sor.u32 $0x200, s6;
	v12 =	vld.idx.msk [tilespmem:v15+s15+$0x0], $0xffff;
	[tilespmem:s20+$0x15000] =	vst v9  }
0x126: {  	s23 =	sor.u32 $0x200, s10;
	v9 =	vor.u32 $0x300, v3;
	v10 =	vld.idx.msk [tilespmem:v10+s15+$0x0], $0xffff;
	[tilespmem:s21+$0x15000] =	vst v13  }
0x127: {  	[tilespmem:s23+$0x15000] =	vst v11;
	v11 =	vor.u32 $0x300, v4;
	v13 =	vld.idx.msk [tilespmem:v14+s15+$0x0], $0xffff  }
0x128: {  	[tilespmem:s7+$0x15000] =	vst v16;
	v8 =	vld.idx.msk [tilespmem:v8+s15+$0x0], $0xffff;
	v14 =	vor.u32 $0x300, v6  }
0x129: {  	s11 =	sor.u32 $0x280, s1;
	v15 =	vor.u32 $0x300, v5;
	[tilespmem:s12+$0x15000] =	vst v7;
	v7 =	vld.idx.msk [tilespmem:v17+s15+$0x0], $0xffff  }
0x12a: {  	v1 =	vor.u32 $0x380, v1;
	s12 =	sor.u32 $0x280, s2;
	v2 =	vld.idx.msk [tilespmem:v2+s15+$0x0], $0xffff;
	[tilespmem:s11+$0x15000] =	vst v12  }
0x12b: {  	v0 =	vor.u32 $0x380, v0;
	s13 =	sor.u32 $0x280, s6;
	v9 =	vld.idx.msk [tilespmem:v9+s15+$0x0], $0xffff;
	[tilespmem:s12+$0x15000] =	vst v10  }
0x12c: {  	s14 =	sor.u32 $0x280, s10;
	v3 =	vor.u32 $0x380, v3;
	v10 =	vld.idx.msk [tilespmem:v11+s15+$0x0], $0xffff;
	[tilespmem:s13+$0x15000] =	vst v13  }
0x12d: {  	v4 =	vor.u32 $0x380, v4;
	[tilespmem:s14+$0x15000] =	vst v8;
	v11 =	vld.idx.msk [tilespmem:v14+s15+$0x0], $0xffff  }
0x12e: {  	v6 =	vor.u32 $0x380, v6;
	[tilespmem:s3+$0x15000] =	vst v7;
	v7 =	vld.idx.msk [tilespmem:v15+s15+$0x0], $0xffff  }
0x12f: {  	s17 =	sor.u32 $0x300, s1;
	v1 =	vld.idx.msk [tilespmem:v1+s15+$0x0], $0xffff;
	[tilespmem:s0+$0x15000] =	vst v2;
	v2 =	vor.u32 $0x380, v5  }
0x130: {  	s18 =	sor.u32 $0x300, s2;
	v0 =	vld.idx.msk [tilespmem:v0+s15+$0x0], $0xffff;
	[tilespmem:s17+$0x15000] =	vst v9  }
0x131: {  	s19 =	sor.u32 $0x300, s6;
	v3 =	vld.idx.msk [tilespmem:v3+s15+$0x0], $0xffff;
	[tilespmem:s18+$0x15000] =	vst v10  }
0x132: {  	s20 =	sor.u32 $0x300, s10;
	[tilespmem:s19+$0x15000] =	vst v11;
	v4 =	vld.idx.msk [tilespmem:v4+s15+$0x0], $0xffff  }
0x133: {  	[tilespmem:s20+$0x15000] =	vst v7;
	v5 =	vld.idx.msk [tilespmem:v6+s15+$0x0], $0xffff  }
0x134: {  	[tilespmem:s29+$0x15000] =	vst v1;
	v1 =	vld.idx.msk [tilespmem:v2+s15+$0x0], $0xffff  }
0x135: {  	s21 =	sor.u32 $0x380, s1;
	[tilespmem:s30+$0x15000] =	vst v0  }
0x136: {  	s23 =	sor.u32 $0x380, s2;
	[tilespmem:s21+$0x15000] =	vst v3  }
0x137: {  	s2 =	sor.u32 $0x380, s6;
	[tilespmem:s23+$0x15000] =	vst v4  }
0x138: {  	s3 =	sor.u32 $0x380, s10;
	[tilespmem:s2+$0x15000] =	vst v5  }
0x139: {  	s4 =	sadd.s32 s28, s9;
	s6 =	simm.s32 $0x15000;
	[tilespmem:s3+$0x15000] =	vst v1  }
0x13a: {  	[hbm4b:s4+s5] =	stream.linear.scatter [tilespmem:s6], [sflag:$0x4], $0x4000, $0x38;
	[tilespmem:$0x19000] =	vst v63  }
0x13b: {  	p0 =	seq.s32 s24, $0xF;
	s0 =	rddreg [dreg:$0x7]  }
0x13c: {  	s0 =	sadd.s32 @!p0 s25, s0  }
0x13d: {  	s0 =	sshll.u32 @!p0 s0, $0xC  }
0x13e: {  	s7 =	simm.s32 $0x2;
	s1 =	rddreg [dreg:$0x0];
	s0 =	sand.u32 @!p0 $0x1FFFE000, s0  }
0x13f: {  	s2 =	simm.s32 @!p0 $0x1000;
	s0 =	sadd.s32 @!p0 s1, s0;
	s1 =	simm.s32 @!p0 $0x0  }
0x140: {  	[tilespmem:s2], [sflag:$0x1] =	stream.linear.gather @!p0 [hbm4b:s0+s1], $0x8000, $0x38;
	[tilespmem:$0x19000] =	vst v63  }
0x141: {  	_ =	swait.ge [sflag:s7], $0x8000  }
0x142: {  	[sflag:s7] =	ssyncset.done $0x0  }
0x143: {  	s8 =	simm.s32 $0x0;
	s10 =	simm.s32 $0x3;
	[sflag:s7] =	ssyncadd.s32 $0xFFFF8000  }
0x144: {  	s11 =	sand.u32 $0x40, s8;
	_ =	swait.ge [sflag:s10], $0x4000  }
0x145: {  	s12 =	sand.u32 $0x780, s8;
	s13 =	sor.u32 $0x30, s11;
	[sflag:s10] =	ssyncset.done $0x0  }
0x146: {  	s14 =	sor.u32 s13, s12;
	[sflag:s10] =	ssyncadd.s32 $0xFFFFC000  }
0x147: {  	v0 =	vld [tilespmem:s14+$0x0]  }
0x148: {  	s17 =	sor.u32 $0x10, s11;
	v1 =	vld [tilespmem:s8+$0x0]  }
0x149: {  	s18 =	sor.u32 $0x20, s11;
	s19 =	sor.u32 s17, s12  }
0x14a: {  	s2 =	sor.u32 s18, s12;
	v2 =	vld [tilespmem:s19+$0x0]  }
0x14b: {  	v3 =	vld [tilespmem:s2+$0x0]  }
0x14c: {  	v4 =	vshll.u32 v0, $0x3  }
0x14d: {  	v5 =	vshll.u32 v1, $0x3;
	v0 =	vand.u32 $0x7F, v0;
	v4 =	vand.u32 $0xFFFFFC00, v4  }
0x14e: {  	v1 =	vand.u32 $0x7F, v1;
	v6 =	vand.u32 $0xFFFFFC00, v5;
	v5 =	vor.u32 v0, v4  }
0x14f: {  	v0 =	vor.u32 v1, v6;
	v1 =	vshll.u32 v2, $0x3  }
0x150: {  	v4 =	vshll.u32 v3, $0x3;
	v2 =	vand.u32 $0x7F, v2;
	v1 =	vand.u32 $0xFFFFFC00, v1  }
0x151: {  	v6 =	vand.u32 $0xFFFFFC00, v4;
	v4 =	vor.u32 v2, v1;
	v1 =	vand.u32 $0x7F, v3  }
0x152: {  	v3 =	vor.u32 v1, v6  }
0x153: {  	v1 =	vld.idx.msk [tilespmem:v5+s16+$0x0], $0xffff  }
0x154: {  	v6 =	vor.u32 $0x80, v5;
	v2 =	vld.idx.msk [tilespmem:v0+s16+$0x0], $0xffff  }
0x155: {  	s0 =	sand.u32 $0x3C00, s8;
	v7 =	vor.u32 $0x80, v0  }
0x156: {  	s0 =	sadd.s32 $0x11000, s0;
	v8 =	vld.idx.msk [tilespmem:v4+s16+$0x0], $0xffff  }
0x157: {  	s20 =	sor.u32 s13, s0;
	v9 =	vor.u32 $0x80, v4;
	v10 =	vld.idx.msk [tilespmem:v3+s16+$0x0], $0xffff  }
0x158: {  	s1 =	sor.u32 s11, s0;
	v11 =	vor.u32 $0x80, v3;
	[tilespmem:s20+$0x0] =	vst v1  }
0x159: {  	[tilespmem:s1+$0x0] =	vst v2;
	v1 =	vld.idx.msk [tilespmem:v6+s16+$0x0], $0xffff  }
0x15a: {  	s21 =	sor.u32 s17, s0;
	v2 =	vld.idx.msk [tilespmem:v7+s16+$0x0], $0xffff;
	v6 =	vor.u32 $0x100, v5  }
0x15b: {  	s23 =	sor.u32 s18, s0;
	v7 =	vor.u32 $0x100, v0;
	[tilespmem:s21+$0x0] =	vst v8  }
0x15c: {  	v8 =	vld.idx.msk [tilespmem:v9+s16+$0x0], $0xffff;
	[tilespmem:s23+$0x0] =	vst v10  }
0x15d: {  	v9 =	vor.u32 $0x100, v4;
	v10 =	vld.idx.msk [tilespmem:v11+s16+$0x0], $0xffff  }
0x15e: {  	v11 =	vor.u32 $0x100, v3;
	[tilespmem:s20+$0x80] =	vst v1  }
0x15f: {  	[tilespmem:s1+$0x80] =	vst v2;
	v1 =	vld.idx.msk [tilespmem:v6+s16+$0x0], $0xffff  }
0x160: {  	v2 =	vld.idx.msk [tilespmem:v7+s16+$0x0], $0xffff;
	v6 =	vor.u32 $0x180, v5  }
0x161: {  	v7 =	vor.u32 $0x180, v0;
	[tilespmem:s21+$0x80] =	vst v8  }
0x162: {  	v8 =	vld.idx.msk [tilespmem:v9+s16+$0x0], $0xffff;
	[tilespmem:s23+$0x80] =	vst v10  }
0x163: {  	s28 =	simm.s32 $0x40;
	v9 =	vor.u32 $0x180, v4;
	v10 =	vld.idx.msk [tilespmem:v11+s16+$0x0], $0xffff  }
0x164: {  	s0 =	sand.u32 $0x40, s28;
	v11 =	vld [tilespmem:s28+$0x0];
	[tilespmem:s20+$0x100] =	vst v1  }
0x165: {  	s11 =	sand.u32 $0x780, s28;
	s7 =	sor.u32 $0x30, s0;
	[tilespmem:s1+$0x100] =	vst v2;
	v1 =	vld.idx.msk [tilespmem:v6+s16+$0x0], $0xffff  }
0x166: {  	s12 =	sor.u32 s7, s11;
	v2 =	vor.u32 $0x180, v3;
	v6 =	vld.idx.msk [tilespmem:v7+s16+$0x0], $0xffff  }
0x167: {  	s3 =	sor.u32 $0x10, s0;
	v7 =	vor.u32 $0x200, v5;
	[tilespmem:s21+$0x100] =	vst v8;
	v8 =	vld [tilespmem:s12+$0x0]  }
0x168: {  	s13 =	sor.u32 $0x20, s0;
	s14 =	sor.u32 s3, s11;
	v9 =	vld.idx.msk [tilespmem:v9+s16+$0x0], $0xffff  }
0x169: {  	s10 =	sor.u32 s13, s11;
	v13 =	vld [tilespmem:s14+$0x0];
	v12 =	vor.u32 $0x200, v4;
	v14 =	vshll.u32 v11, $0x3  }
0x16a: {  	v15 =	vld [tilespmem:s10+$0x0];
	[tilespmem:s23+$0x100] =	vst v10;
	v10 =	vor.u32 $0x200, v0;
	v11 =	vand.u32 $0x7F, v11;
	v14 =	vand.u32 $0xFFFFFC00, v14  }
0x16b: {  	p1 =	por $0x0, $0x0;
	s2 =	simm.s32 $0x1;
	v16 =	vld.idx.msk [tilespmem:v2+s16+$0x0], $0xffff;
	[tilespmem:s20+$0x180] =	vst v1;
	v1 =	vor.u32 v11, v14  }
0x16c: {  	s2 =	simm.s32 @!p1 $0x0;
	v11 =	vor.u32 $0x200, v3;
	v7 =	vld.idx.msk [tilespmem:v7+s16+$0x0], $0xffff;
	v2 =	vshll.u32 v8, $0x3  }
0x16d: {  	s2 =	sshll.u32 s2, $0x6;
	v8 =	vand.u32 $0x7F, v8;
	[tilespmem:s21+$0x180] =	vst v9;
	v2 =	vand.u32 $0xFFFFFC00, v2;
	v9 =	vor.u32 $0x280, v5  }
0x16e: {  	v14 =	vor.u32 $0x280, v4;
	[tilespmem:s1+$0x180] =	vst v6;
	s1 =	sadd.s32 $0x0, s2;
	v6 =	vld.idx.msk [tilespmem:v12+s16+$0x0], $0xffff;
	v12 =	vshll.u32 v13, $0x3;
	v2 =	vor.u32 v8, v2  }
0x16f: {  	s2 =	sadd.s32 $0x30, s1;
	v8 =	vld.idx.msk [tilespmem:v10+s16+$0x0], $0xffff;
	v10 =	vshll.u32 v15, $0x3;
	v13 =	vand.u32 $0x7F, v13;
	v12 =	vand.u32 $0xFFFFFC00, v12  }
0x170: {  	s17 =	sor.u32 $0x200, s2;
	v10 =	vand.u32 $0xFFFFFC00, v10;
	[tilespmem:s23+$0x180] =	vst v16;
	v17 =	vld.idx.msk [tilespmem:v1+s16+$0x0], $0xffff;
	v21 =	vor.u32 v13, v12;
	v12 =	vand.u32 $0x7F, v15  }
0x171: {  	s4 =	sadd.s32 $0x10, s1;
	v11 =	vld.idx.msk [tilespmem:v11+s16+$0x0], $0xffff;
	v10 =	vor.u32 v12, v10;
	[tilespmem:s17+$0x11000] =	vst v7  }
0x172: {  	s18 =	sor.u32 $0x200, s4;
	v7 =	vor.u32 $0x280, v0;
	v9 =	vld.idx.msk [tilespmem:v9+s16+$0x0], $0xffff  }
0x173: {  	s29 =	simm.s32 $0x200;
	s19 =	sor.u32 $0x200, s1;
	v12 =	vor.u32 $0x280, v3;
	v13 =	vld.idx.msk [tilespmem:v2+s16+$0x0], $0xffff;
	[tilespmem:s18+$0x11000] =	vst v6  }
0x174: {  	s10 =	sadd.s32 $0x20, s1;
	s21 =	sand.u32 $0x3C00, s29;
	[tilespmem:s19+$0x11000] =	vst v8;
	v8 =	vor.u32 $0x80, v1;
	v6 =	vld.idx.msk [tilespmem:v14+s16+$0x0], $0xffff  }
0x175: {  	s20 =	sor.u32 $0x200, s10;
	s8 =	sadd.s32 $0x11000, s21;
	v14 =	vor.u32 $0x300, v5;
	v15 =	vld.idx.msk [tilespmem:v21+s16+$0x0], $0xffff  }
0x176: {  	v16 =	vor.u32 $0x80, v2;
	s14 =	sor.u32 s0, s8;
	[tilespmem:s20+$0x11000] =	vst v11;
	v18 =	vld.idx.msk [tilespmem:v10+s16+$0x0], $0xffff  }
0x177: {  	s23 =	sor.u32 $0x280, s2;
	v19 =	vor.u32 $0x80, v21;
	[tilespmem:s14+$0x0] =	vst v17;
	v7 =	vld.idx.msk [tilespmem:v7+s16+$0x0], $0xffff  }
0x178: {  	s11 =	sor.u32 s7, s8;
	v11 =	vor.u32 $0x80, v10;
	v12 =	vld.idx.msk [tilespmem:v12+s16+$0x0], $0xffff;
	[tilespmem:s23+$0x11000] =	vst v9  }
0x179: {  	v9 =	vor.u32 $0x300, v4;
	s23 =	sor.u32 s3, s8;
	s3 =	sor.u32 s13, s8;
	s13 =	sor.u32 $0x280, s4;
	[tilespmem:s11+$0x0] =	vst v13;
	v8 =	vld.idx.msk [tilespmem:v8+s16+$0x0], $0xffff  }
0x17a: {  	v13 =	vld.idx.msk [tilespmem:v14+s16+$0x0], $0xffff;
	v14 =	vor.u32 $0x300, v3;
	[tilespmem:s13+$0x11000] =	vst v6  }
0x17b: {  	v5 =	vor.u32 $0x380, v5;
	v16 =	vld.idx.msk [tilespmem:v16+s16+$0x0], $0xffff;
	[tilespmem:s23+$0x0] =	vst v15  }
0x17c: {  	s17 =	sor.u32 $0x280, s10;
	v17 =	vor.u32 $0x100, v2;
	v15 =	vld.idx.msk [tilespmem:v19+s16+$0x0], $0xffff;
	[tilespmem:s3+$0x0] =	vst v18  }
0x17d: {  	v18 =	vor.u32 $0x100, v1;
	[tilespmem:s17+$0x11000] =	vst v12;
	v20 =	vld.idx.msk [tilespmem:v11+s16+$0x0], $0xffff  }
0x17e: {  	s18 =	sor.u32 $0x300, s2;
	v6 =	vor.u32 $0x100, v21;
	v22 =	vld.idx.msk [tilespmem:v9+s16+$0x0], $0xffff;
	[tilespmem:s14+$0x80] =	vst v8  }
0x17f: {  	v23 =	vor.u32 $0x100, v10;
	v14 =	vld.idx.msk [tilespmem:v14+s16+$0x0], $0xffff;
	[tilespmem:s18+$0x11000] =	vst v13  }
0x180: {  	[tilespmem:s11+$0x80] =	vst v16;
	v16 =	vor.u32 $0x300, v0;
	v24 =	vld.idx.msk [tilespmem:v5+s16+$0x0], $0xffff  }
0x181: {  	v25 =	vor.u32 $0x380, v4;
	v19 =	vld.idx.msk [tilespmem:v17+s16+$0x0], $0xffff;
	[tilespmem:s23+$0x80] =	vst v15  }
0x182: {  	s20 =	sor.u32 $0x300, s4;
	v4 =	vor.u32 $0x380, v21;
	v17 =	vld.idx.msk [tilespmem:v18+s16+$0x0], $0xffff;
	[tilespmem:s3+$0x80] =	vst v20  }
0x183: {  	s19 =	sor.u32 $0x280, s1;
	v11 =	vor.u32 $0x200, v21;
	v8 =	vor.u32 $0x280, v21;
	v18 =	vld.idx.msk [tilespmem:v6+s16+$0x0], $0xffff;
	[tilespmem:s20+$0x11000] =	vst v22;
	v22 =	vor.u32 $0x180, v2  }
0x184: {  	s12 =	sor.u32 $0x300, s1;
	s31 =	sor.u32 $0x300, s10;
	[tilespmem:s19+$0x11000] =	vst v7;
	v13 =	vor.u32 $0x180, v21;
	v6 =	vor.u32 $0x300, v21;
	v21 =	vor.u32 $0x180, v1;
	v20 =	vld.idx.msk [tilespmem:v23+s16+$0x0], $0xffff  }
0x185: {  	s30 =	sor.u32 $0x380, s10;
	s21 =	sor.u32 $0x380, s2;
	s0 =	simm.s32 $0x4;
	v3 =	vor.u32 $0x380, v3;
	v12 =	vor.u32 $0x180, v10;
	v7 =	vor.u32 $0x280, v10;
	v15 =	vld.idx.msk [tilespmem:v16+s16+$0x0], $0xffff  }
0x186: {  	s7 =	simm.s32 $0x80;
	s2 =	sor.u32 $0x380, s1;
	s8 =	sor.u32 $0x380, s4;
	v9 =	vor.u32 $0x200, v10;
	v5 =	vor.u32 $0x300, v10;
	v10 =	vor.u32 $0x380, v10;
	v16 =	vld.idx.msk [tilespmem:v25+s16+$0x0], $0xffff;
	[tilespmem:s21+$0x11000] =	vst v24  }
.LBB2_7:
0x187: {  	v23 =	vld [tilespmem:s7+$0x0];
	[tilespmem:s11+$0x100] =	vst v19;
	s28 =	sadd.s32 $0x40, s28  }
0x188: {  	s0 =	sadd.s32 $0x4, s0;
	s1 =	sand.u32 $0x40, s28;
	[tilespmem:s14+$0x100] =	vst v17;
	v17 =	vld.idx.msk [tilespmem:v22+s16+$0x0], $0xffff  }
0x189: {  	s13 =	sand.u32 $0x780, s28;
	p2 =	slt.u32 s0, $0x7C;
	s4 =	sor.u32 $0x30, s1;
	v19 =	vld.idx.msk [tilespmem:v21+s16+$0x0], $0xffff;
	[tilespmem:s23+$0x100] =	vst v18  }
0x18a: {  	s10 =	sor.u32 $0x10, s1;
	s6 =	sor.u32 $0x20, s1;
	v18 =	vor.u32 $0x200, v2;
	s17 =	sor.u32 s4, s13;
	v13 =	vld.idx.msk [tilespmem:v13+s16+$0x0], $0xffff;
	[tilespmem:s3+$0x100] =	vst v20  }
0x18b: {  	v21 =	vor.u32 $0x200, v1;
	s18 =	sor.u32 s10, s13;
	s13 =	sor.u32 s6, s13;
	v20 =	vld [tilespmem:s17+$0x0];
	[tilespmem:s31+$0x11000] =	vst v14  }
0x18c: {  	v14 =	vld [tilespmem:s18+$0x0];
	[tilespmem:s12+$0x11000] =	vst v15  }
0x18d: {  	v15 =	vshll.u32 v23, $0x3;
	v22 =	vld [tilespmem:s13+$0x0];
	[tilespmem:s8+$0x11000] =	vst v16  }
0x18e: {  	v16 =	vand.u32 $0x7F, v23;
	v15 =	vand.u32 $0xFFFFFC00, v15;
	v12 =	vld.idx.msk [tilespmem:v12+s16+$0x0], $0xffff;
	[tilespmem:s11+$0x180] =	vst v17;
	v17 =	vor.u32 $0x380, v0;
	v0 =	vmovc v1  }
0x18f: {  	p1 =	por !p1, !p1;
	s8 =	simm.s32 $0x1;
	v1 =	vor.u32 v16, v15;
	[tilespmem:s14+$0x180] =	vst v19;
	v15 =	vld.idx.msk [tilespmem:v18+s16+$0x0], $0xffff  }
0x190: {  	s8 =	simm.s32 @!p1 $0x0;
	v16 =	vshll.u32 v20, $0x3;
	v18 =	vld.idx.msk [tilespmem:v21+s16+$0x0], $0xffff;
	[tilespmem:s23+$0x180] =	vst v13  }
0x191: {  	s8 =	sshll.u32 s8, $0x6;
	v13 =	vand.u32 $0x7F, v20;
	v16 =	vand.u32 $0xFFFFFC00, v16;
	v19 =	vld.idx.msk [tilespmem:v11+s16+$0x0], $0xffff;
	v11 =	vor.u32 $0x280, v2  }
0x192: {  	s11 =	sadd.s32 s8, s29;
	v20 =	vshll.u32 v14, $0x3;
	v21 =	vshll.u32 v22, $0x3;
	v16 =	vor.u32 v13, v16;
	v23 =	vld.idx.msk [tilespmem:v3+s16+$0x0], $0xffff;
	v3 =	vmovc v10  }
0x193: {  	s8 =	sadd.s32 $0x10, s11;
	s14 =	sadd.s32 $0x20, s11;
	s13 =	sadd.s32 $0x30, s11;
	v10 =	vand.u32 $0x7F, v14;
	v13 =	vand.u32 $0xFFFFFC00, v20;
	v14 =	vand.u32 $0xFFFFFC00, v21;
	v17 =	vld.idx.msk [tilespmem:v17+s16+$0x0], $0xffff  }
0x194: {  	s23 =	sor.u32 $0x200, s8;
	s12 =	sor.u32 $0x200, s13;
	v10 =	vor.u32 v10, v13;
	v13 =	vand.u32 $0x7F, v22;
	v21 =	vor.u32 $0x280, v0;
	v20 =	vld.idx.msk [tilespmem:v1+s16+$0x0], $0xffff;
	[tilespmem:s3+$0x180] =	vst v12;
	s3 =	sor.u32 $0x200, s14  }
0x195: {  	s18 =	sor.u32 $0x200, s11;
	s20 =	sor.u32 $0x280, s8;
	s17 =	sor.u32 $0x280, s14;
	v22 =	vor.u32 $0x80, v10;
	v24 =	vor.u32 $0x100, v10;
	v14 =	vor.u32 v13, v14;
	v25 =	vld.idx.msk [tilespmem:v9+s16+$0x0], $0xffff;
	[tilespmem:s12+$0x11000] =	vst v15  }
0x196: {  	s19 =	sor.u32 $0x280, s11;
	s31 =	sor.u32 $0x300, s14;
	v13 =	vor.u32 $0x180, v10;
	v15 =	vor.u32 $0x80, v14;
	v26 =	vor.u32 $0x100, v14;
	[tilespmem:s18+$0x11000] =	vst v18;
	s18 =	sor.u32 $0x300, s8;
	v18 =	vld.idx.msk [tilespmem:v11+s16+$0x0], $0xffff  }
0x197: {  	s14 =	sor.u32 $0x380, s14;
	v12 =	vor.u32 $0x180, v14;
	v9 =	vor.u32 $0x200, v14;
	s12 =	sor.u32 $0x300, s11;
	v11 =	vor.u32 $0x200, v10;
	s8 =	sor.u32 $0x380, s8;
	v27 =	vld.idx.msk [tilespmem:v16+s16+$0x0], $0xffff;
	[tilespmem:s23+$0x11000] =	vst v19  }
0x198: {  	v29 =	vor.u32 $0x300, v2;
	s11 =	sor.u32 $0x380, s11;
	v19 =	vor.u32 $0x280, v14;
	v28 =	vld.idx.msk [tilespmem:v8+s16+$0x0], $0xffff;
	v8 =	vor.u32 $0x280, v10;
	[tilespmem:s30+$0x11000] =	vst v23;
	s30 =	smov.u32 s14  }
0x199: {  	s29 =	sadd.s32 $0x200, s29;
	v32 =	vor.u32 $0x80, v16;
	v30 =	vor.u32 $0x300, v10;
	v31 =	vor.u32 $0x300, v14;
	v23 =	vld.idx.msk [tilespmem:v10+s16+$0x0], $0xffff;
	[tilespmem:s2+$0x11000] =	vst v17;
	s2 =	smov.u32 s11  }
0x19a: {  	v33 =	vor.u32 $0x380, v10;
	s11 =	sand.u32 $0x3C00, s29;
	v17 =	vor.u32 $0x80, v1;
	v10 =	vor.u32 $0x380, v14;
	v34 =	vld.idx.msk [tilespmem:v14+s16+$0x0], $0xffff  }
0x19b: {  	s21 =	sadd.s32 $0x11000, s11;
	v35 =	vld.idx.msk [tilespmem:v21+s16+$0x0], $0xffff;
	[tilespmem:s3+$0x11000] =	vst v25;
	s3 =	sor.u32 $0x280, s13  }
0x19c: {  	s14 =	sor.u32 s1, s21;
	s23 =	sor.u32 s10, s21;
	s11 =	sor.u32 s4, s21;
	v14 =	vld.idx.msk [tilespmem:v7+s16+$0x0], $0xffff;
	[tilespmem:s3+$0x11000] =	vst v18;
	v7 =	vmov v19  }
0x19d: {  	s3 =	sor.u32 s6, s21;
	[tilespmem:s11+$0x0] =	vst v27;
	v18 =	vld.idx.msk [tilespmem:v29+s16+$0x0], $0xffff  }
0x19e: {  	[tilespmem:s14+$0x0] =	vst v20;
	v19 =	vld.idx.msk [tilespmem:v32+s16+$0x0], $0xffff  }
0x19f: {  	v20 =	vor.u32 $0x380, v2;
	v2 =	vmov v16;
	v17 =	vld.idx.msk [tilespmem:v17+s16+$0x0], $0xffff;
	[tilespmem:s23+$0x0] =	vst v23  }
0x1a0: {  	v21 =	vor.u32 $0x100, v2;
	v16 =	vld.idx.msk [tilespmem:v22+s16+$0x0], $0xffff;
	[tilespmem:s3+$0x0] =	vst v34  }
0x1a1: {  	v22 =	vor.u32 $0x100, v1;
	v15 =	vld.idx.msk [tilespmem:v15+s16+$0x0], $0xffff;
	[tilespmem:s20+$0x11000] =	vst v28  }
0x1a2: {  	s1 =	sor.u32 $0x300, s13;
	v23 =	vld.idx.msk [tilespmem:v6+s16+$0x0], $0xffff;
	[tilespmem:s17+$0x11000] =	vst v14;
	v6 =	vmov v30  }
0x1a3: {  	v14 =	vld.idx.msk [tilespmem:v5+s16+$0x0], $0xffff;
	[tilespmem:s1+$0x11000] =	vst v18;
	v5 =	vmov v31  }
0x1a4: {  	v25 =	vor.u32 $0x300, v0;
	[tilespmem:s11+$0x80] =	vst v19;
	v27 =	vld.idx.msk [tilespmem:v20+s16+$0x0], $0xffff  }
0x1a5: {  	[tilespmem:s14+$0x80] =	vst v17;
	v19 =	vld.idx.msk [tilespmem:v21+s16+$0x0], $0xffff  }
.Ltmp4:
0x1a6: {  	v17 =	vld.idx.msk [tilespmem:v22+s16+$0x0], $0xffff;
	[tilespmem:s23+$0x80] =	vst v16;
	(pc) =	sbr.rel @p2 .LBB2_7-.Ltmp4, $4  }
0x1a7: {  	v22 =	vor.u32 $0x180, v2;
	v18 =	vld.idx.msk [tilespmem:v24+s16+$0x0], $0xffff;
	[tilespmem:s3+$0x80] =	vst v15  }
0x1a8: {  	v21 =	vor.u32 $0x180, v1;
	v20 =	vld.idx.msk [tilespmem:v26+s16+$0x0], $0xffff;
	[tilespmem:s19+$0x11000] =	vst v35  }
0x1a9: {  	s1 =	sor.u32 $0x380, s13;
	v15 =	vld.idx.msk [tilespmem:v25+s16+$0x0], $0xffff;
	[tilespmem:s18+$0x11000] =	vst v23  }
0x1aa: {  	s7 =	sadd.s32 $0x40, s7;
	v16 =	vld.idx.msk [tilespmem:v4+s16+$0x0], $0xffff;
	[tilespmem:s1+$0x11000] =	vst v27;
	v4 =	vmov v33  }
0x1ab: {  	_ =	sdelay $0x2  }
0x1ac: {  	[tilespmem:s11+$0x100] =	vst v19  }
0x1ad: {  	v19 =	vld.idx.msk [tilespmem:v22+s16+$0x0], $0xffff;
	[tilespmem:s23+$0x100] =	vst v18  }
0x1ae: {  	v18 =	vor.u32 $0x200, v2;
	v13 =	vld.idx.msk [tilespmem:v13+s16+$0x0], $0xffff;
	[tilespmem:s3+$0x100] =	vst v20  }
0x1af: {  	v12 =	vld.idx.msk [tilespmem:v12+s16+$0x0], $0xffff;
	_ =	sdelay $0x1  }
0x1b0: {  	[tilespmem:s14+$0x100] =	vst v17  }
0x1b1: {  	p1 =	por !p1, !p1;
	s0 =	simm.s32 $0x1;
	v17 =	vld.idx.msk [tilespmem:v21+s16+$0x0], $0xffff;
	[tilespmem:s11+$0x180] =	vst v19  }
0x1b2: {  	v61 =	vor.u32 $0x200, v1;
	s0 =	simm.s32 @!p1 $0x0;
	v18 =	vld.idx.msk [tilespmem:v18+s16+$0x0], $0xffff;
	[tilespmem:s23+$0x180] =	vst v13  }
0x1b3: {  	s0 =	sshll.u32 s0, $0x6;
	v13 =	vor.u32 $0x280, v2;
	v11 =	vld.idx.msk [tilespmem:v11+s16+$0x0], $0xffff;
	[tilespmem:s3+$0x180] =	vst v12  }
0x1b4: {  	s0 =	sadd.s32 s0, s29;
	v9 =	vld.idx.msk [tilespmem:v9+s16+$0x0], $0xffff  }
0x1b5: {  	s1 =	sadd.s32 $0x30, s0  }
0x1b6: {  	s10 =	sadd.s32 $0x10, s0;
	s4 =	sor.u32 $0x200, s1;
	[tilespmem:s14+$0x180] =	vst v17  }
0x1b7: {  	s6 =	sadd.s32 $0x20, s0;
	s7 =	sor.u32 $0x200, s10;
	v12 =	vld.idx.msk [tilespmem:v61+s16+$0x0], $0xffff;
	[tilespmem:s4+$0x11000] =	vst v18  }
0x1b8: {  	v17 =	vor.u32 $0x280, v1;
	s11 =	sor.u32 $0x200, s6;
	v13 =	vld.idx.msk [tilespmem:v13+s16+$0x0], $0xffff;
	[tilespmem:s7+$0x11000] =	vst v11  }
0x1b9: {  	v11 =	vor.u32 $0x300, v2;
	v8 =	vld.idx.msk [tilespmem:v8+s16+$0x0], $0xffff;
	[tilespmem:s11+$0x11000] =	vst v9  }
0x1ba: {  	v7 =	vld.idx.msk [tilespmem:v7+s16+$0x0], $0xffff  }
0x1bb: {  	[tilespmem:s31+$0x11000] =	vst v14;
	s13 =	sor.u32 $0x200, s0  }
0x1bc: {  	s14 =	sor.u32 $0x280, s1;
	[tilespmem:s13+$0x11000] =	vst v12  }
0x1bd: {  	v0 =	vor.u32 $0x380, v0;
	s17 =	sor.u32 $0x280, s10;
	v9 =	vld.idx.msk [tilespmem:v17+s16+$0x0], $0xffff;
	[tilespmem:s14+$0x11000] =	vst v13  }
0x1be: {  	s18 =	sor.u32 $0x280, s6;
	v12 =	vor.u32 $0x300, v1;
	v11 =	vld.idx.msk [tilespmem:v11+s16+$0x0], $0xffff;
	[tilespmem:s17+$0x11000] =	vst v8  }
0x1bf: {  	v2 =	vor.u32 $0x380, v2;
	v6 =	vld.idx.msk [tilespmem:v6+s16+$0x0], $0xffff;
	[tilespmem:s18+$0x11000] =	vst v7  }
0x1c0: {  	[tilespmem:s12+$0x11000] =	vst v15;
	v5 =	vld.idx.msk [tilespmem:v5+s16+$0x0], $0xffff  }
0x1c1: {  	v3 =	vld.idx.msk [tilespmem:v3+s16+$0x0], $0xffff;
	s19 =	sor.u32 $0x280, s0;
	[tilespmem:s8+$0x11000] =	vst v16  }
0x1c2: {  	s20 =	sor.u32 $0x300, s1;
	v0 =	vld.idx.msk [tilespmem:v0+s16+$0x0], $0xffff;
	[tilespmem:s19+$0x11000] =	vst v9  }
0x1c3: {  	s21 =	sor.u32 $0x300, s10;
	v7 =	vld.idx.msk [tilespmem:v12+s16+$0x0], $0xffff;
	[tilespmem:s20+$0x11000] =	vst v11  }
0x1c4: {  	s23 =	sor.u32 $0x300, s6;
	v1 =	vor.u32 $0x380, v1;
	v2 =	vld.idx.msk [tilespmem:v2+s16+$0x0], $0xffff;
	[tilespmem:s21+$0x11000] =	vst v6  }
0x1c5: {  	v4 =	vld.idx.msk [tilespmem:v4+s16+$0x0], $0xffff;
	[tilespmem:s23+$0x11000] =	vst v5  }
0x1c6: {  	[tilespmem:s30+$0x11000] =	vst v3;
	v5 =	vld.idx.msk [tilespmem:v10+s16+$0x0], $0xffff  }
0x1c7: {  	s31 =	sor.u32 $0x300, s0;
	[tilespmem:s2+$0x11000] =	vst v0  }
0x1c8: {  	s1 =	sor.u32 $0x380, s1;
	[tilespmem:s31+$0x11000] =	vst v7  }
0x1c9: {  	s4 =	sor.u32 $0x380, s10;
	v1 =	vld.idx.msk [tilespmem:v1+s16+$0x0], $0xffff;
	[tilespmem:s1+$0x11000] =	vst v2  }
0x1ca: {  	s6 =	sor.u32 $0x380, s6;
	[tilespmem:s4+$0x11000] =	vst v4  }
0x1cb: {  	[tilespmem:s6+$0x11000] =	vst v5  }
0x1cc: {  	s1 =	rddreg [dreg:$0xa]  }
0x1cd: {  	s0 =	sor.u32 $0x380, s0;
	s8 =	simm.s32 $0x0;
	s26 =	sadd.s32 s1, s26  }
0x1ce: {  	s10 =	simm.s32 $0x11000;
	s11 =	simm.s32 $0x4;
	[tilespmem:s0+$0x11000] =	vst v1;
	s7 =	sadd.s32 s22, s26  }
0x1cf: {  	[hbm4b:s7+s8] =	stream.linear.scatter [tilespmem:s10], [sflag:$0x3], $0x4000, $0x38;
	[tilespmem:$0x19000] =	vst v63  }
0x1d0: {  	_ =	swait.ge [sflag:s11], $0x4000  }
0x1d1: {  	[sflag:s11] =	ssyncset.done $0x0  }
0x1d2: {  	s12 =	sand.u32 $0x7C0, s8;
	[sflag:s11] =	ssyncadd.s32 $0xFFFFC000  }
0x1d3: {  	v0 =	vld [tilespmem:s12+$0x800];
	_ =	sdelay $0x4  }
0x1d4: {  	s13 =	simm.s32 $0x830;
	v1 =	vshll.u32 v0, $0x3  }
0x1d5: {  	v2 =	vld [tilespmem:s13+$0xFFFFFFE0];
	v0 =	vand.u32 $0x7F, v0;
	v1 =	vand.u32 $0xFFFFFC00, v1  }
0x1d6: {  	v8 =	vor.u32 v0, v1  }
0x1d7: {  	v0 =	vld [tilespmem:s13+$0xFFFFFFF0]  }
0x1d8: {  	v3 =	vld [tilespmem:s13+$0x0];
	_ =	sdelay $0x1  }
0x1d9: {  	v1 =	vshll.u32 v2, $0x3  }
0x1da: {  	v2 =	vand.u32 $0x7F, v2;
	v1 =	vand.u32 $0xFFFFFC00, v1;
	v4 =	vld.idx.msk [tilespmem:v8+s16+$0x0], $0xffff  }
0x1db: {  	v5 =	vor.u32 $0x80, v8;
	v2 =	vor.u32 v2, v1;
	v1 =	vshll.u32 v0, $0x3  }
0x1dc: {  	v6 =	vshll.u32 v3, $0x3;
	v0 =	vand.u32 $0x7F, v0;
	v1 =	vand.u32 $0xFFFFFC00, v1  }
0x1dd: {  	s14 =	sand.u32 $0x40, s8;
	s1 =	sand.u32 $0x3C00, s8;
	v1 =	vor.u32 v0, v1;
	v0 =	vand.u32 $0x7F, v3;
	v3 =	vand.u32 $0xFFFFFC00, v6  }
0x1de: {  	s0 =	sor.u32 s14, s1;
	v0 =	vor.u32 v0, v3  }
0x1df: {  	[tilespmem:s0+$0x15000] =	vst v4  }
0x1e0: {  	v3 =	vld.idx.msk [tilespmem:v5+s16+$0x0], $0xffff  }
0x1e1: {  	v4 =	vor.u32 $0x100, v8;
	v5 =	vld.idx.msk [tilespmem:v2+s16+$0x0], $0xffff  }
0x1e2: {  	v7 =	vor.u32 $0x80, v2;
	v6 =	vld.idx.msk [tilespmem:v1+s16+$0x0], $0xffff  }
0x1e3: {  	v10 =	vor.u32 $0x80, v1;
	v9 =	vld.idx.msk [tilespmem:v0+s16+$0x0], $0xffff  }
0x1e4: {  	v11 =	vor.u32 $0x80, v0;
	s0 =	sadd.s32 $0x15000, s0  }
0x1e5: {  	[tilespmem:s0+$0x80] =	vst v3  }
0x1e6: {  	[tilespmem:s0+$0x10] =	vst v5;
	v3 =	vld.idx.msk [tilespmem:v4+s16+$0x0], $0xffff  }
0x1e7: {  	v5 =	vor.u32 $0x180, v8;
	v7 =	vld.idx.msk [tilespmem:v7+s16+$0x0], $0xffff;
	[tilespmem:s0+$0x20] =	vst v6  }
0x1e8: {  	v6 =	vld.idx.msk [tilespmem:v10+s16+$0x0], $0xffff;
	[tilespmem:s0+$0x30] =	vst v9;
	v9 =	vor.u32 $0x100, v2  }
0x1e9: {  	s17 =	simm.s32 $0x870;
	v10 =	vld.idx.msk [tilespmem:v11+s16+$0x0], $0xffff  }
0x1ea: {  	v12 =	vld [tilespmem:s17+$0xFFFFFFF0];
	v11 =	vor.u32 $0x100, v1  }
0x1eb: {  	v4 =	vld [tilespmem:s17+$0xFFFFFFE0];
	[tilespmem:s0+$0x100] =	vst v3;
	v3 =	vor.u32 $0x100, v0  }
0x1ec: {  	s30 =	simm.s32 $0x40;
	[tilespmem:s0+$0x90] =	vst v7;
	v5 =	vld.idx.msk [tilespmem:v5+s16+$0x0], $0xffff  }
0x1ed: {  	s18 =	sand.u32 $0x7C0, s30;
	v7 =	vor.u32 $0x200, v8;
	v9 =	vld.idx.msk [tilespmem:v9+s16+$0x0], $0xffff;
	[tilespmem:s0+$0xA0] =	vst v6  }
0x1ee: {  	v13 =	vld [tilespmem:s18+$0x800];
	[tilespmem:s0+$0xB0] =	vst v10;
	v10 =	vor.u32 $0x180, v2  }
0x1ef: {  	v6 =	vld.idx.msk [tilespmem:v11+s16+$0x0], $0xffff  }
0x1f0: {  	v11 =	vor.u32 $0x180, v1;
	v14 =	vld.idx.msk [tilespmem:v3+s16+$0x0], $0xffff;
	v3 =	vshll.u32 v4, $0x3  }
0x1f1: {  	v15 =	vld [tilespmem:s17+$0x0];
	v4 =	vand.u32 $0x7F, v4;
	[tilespmem:s0+$0x180] =	vst v5;
	v5 =	vor.u32 $0x180, v0;
	v3 =	vand.u32 $0xFFFFFC00, v3  }
0x1f2: {  	p1 =	por $0x0, $0x0;
	s1 =	simm.s32 $0x1;
	[tilespmem:s0+$0x110] =	vst v9;
	v16 =	vld.idx.msk [tilespmem:v7+s16+$0x0], $0xffff;
	v4 =	vor.u32 v4, v3  }
0x1f3: {  	s1 =	simm.s32 @!p1 $0x0;
	v9 =	vor.u32 $0x280, v8;
	v7 =	vshll.u32 v13, $0x3;
	v10 =	vld.idx.msk [tilespmem:v10+s16+$0x0], $0xffff  }
0x1f4: {  	s1 =	sshll.u32 s1, $0x6;
	v3 =	vand.u32 $0x7F, v13;
	[tilespmem:s0+$0x120] =	vst v6;
	v13 =	vor.u32 $0x200, v2;
	v7 =	vand.u32 $0xFFFFFC00, v7  }
0x1f5: {  	s8 =	sadd.s32 $0x0, s1;
	v11 =	vld.idx.msk [tilespmem:v11+s16+$0x0], $0xffff;
	v3 =	vor.u32 v3, v7;
	[tilespmem:s0+$0x130] =	vst v14  }
0x1f6: {  	s1 =	sor.u32 $0x200, s8;
	v6 =	vshll.u32 v12, $0x3;
	v14 =	vld.idx.msk [tilespmem:v5+s16+$0x0], $0xffff;
	v5 =	vand.u32 $0x7F, v12;
	v12 =	vor.u32 $0x200, v1  }
0x1f7: {  	v17 =	vshll.u32 v15, $0x3;
	v6 =	vand.u32 $0xFFFFFC00, v6;
	v7 =	vld.idx.msk [tilespmem:v4+s16+$0x0], $0xffff;
	[tilespmem:s1+$0x15000] =	vst v16;
	v16 =	vor.u32 $0x200, v0  }
0x1f8: {  	v6 =	vor.u32 v5, v6;
	v5 =	vand.u32 $0x7F, v15;
	v15 =	vand.u32 $0xFFFFFC00, v17;
	[tilespmem:s0+$0x190] =	vst v10;
	v17 =	vld.idx.msk [tilespmem:v9+s16+$0x0], $0xffff  }
0x1f9: {  	v5 =	vor.u32 v5, v15;
	v18 =	vld.idx.msk [tilespmem:v13+s16+$0x0], $0xffff  }
0x1fa: {  	[tilespmem:s0+$0x1A0] =	vst v11;
	v11 =	vor.u32 $0x300, v8;
	v10 =	vld.idx.msk [tilespmem:v3+s16+$0x0], $0xffff  }
0x1fb: {  	v15 =	vor.u32 $0x80, v3;
	v19 =	vld.idx.msk [tilespmem:v12+s16+$0x0], $0xffff;
	[tilespmem:s0+$0x1B0] =	vst v14  }
0x1fc: {  	s2 =	simm.s32 $0x200;
	s19 =	sand.u32 $0x40, s30;
	v14 =	vor.u32 $0x280, v2;
	v16 =	vld.idx.msk [tilespmem:v16+s16+$0x0], $0xffff  }
0x1fd: {  	s20 =	sand.u32 $0x3C00, s2;
	s21 =	smov.u32 s22;
	s22 =	sor.u32 $0x280, s8;
	v62 =	vor.u32 $0x280, v1;
	v9 =	vld.idx.msk [tilespmem:v6+s16+$0x0], $0xffff  }
0x1fe: {  	s6 =	sor.u32 s19, s20;
	s14 =	simm.s32 $0x4;
	s10 =	sadd.s32 $0x10, s8;
	v63 =	vor.u32 $0x280, v0;
	v12 =	vld.idx.msk [tilespmem:v5+s16+$0x0], $0xffff;
	[tilespmem:s22+$0x15000] =	vst v17  }
0x1ff: {  	s23 =	sor.u32 $0x200, s10;
	s4 =	sor.u32 $0x280, s10;
	s13 =	sadd.s32 $0x20, s8;
	[tilespmem:s6+$0x15000] =	vst v10;
	v13 =	vld.idx.msk [tilespmem:v11+s16+$0x0], $0xffff  }
0x200: {  	s7 =	sor.u32 $0x300, s10;
	s31 =	sor.u32 $0x200, s13;
	s17 =	sadd.s32 $0x30, s8;
	[tilespmem:s23+$0x15000] =	vst v18;
	v15 =	vld.idx.msk [tilespmem:v15+s16+$0x0], $0xffff  }
0x201: {  	s12 =	sor.u32 $0x300, s13;
	s28 =	sor.u32 $0x380, s13;
	s18 =	sor.u32 $0x200, s17;
	v10 =	vld.idx.msk [tilespmem:v14+s16+$0x0], $0xffff;
	[tilespmem:s31+$0x15000] =	vst v19;
	v14 =	vor.u32 $0x380, v8  }
0x202: {  	s11 =	sor.u32 $0x280, s17;
	s3 =	sor.u32 $0x300, s17;
	s29 =	sor.u32 $0x380, s17;
	v11 =	vld.idx.msk [tilespmem:v62+s16+$0x0], $0xffff;
	[tilespmem:s18+$0x15000] =	vst v16;
	v16 =	vor.u32 $0x100, v3  }
0x203: {  	s1 =	sor.u32 $0x280, s13;
	s0 =	sor.u32 $0x380, s10;
	v17 =	vor.u32 $0x80, v4;
	s23 =	simm.s32 $0x8B0;
	v8 =	vld.idx.msk [tilespmem:v63+s16+$0x0], $0xffff  }
.LBB2_9:
0x204: {  	v18 =	vld [tilespmem:s23+$0xFFFFFFE0];
	v19 =	vor.u32 $0x80, v6;
	s10 =	sor.u32 $0x300, s8  }
0x205: {  	s6 =	sadd.s32 $0x15000, s6;
	v21 =	vor.u32 $0x80, v5;
	v20 =	vld [tilespmem:s23+$0xFFFFFFF0];
	[tilespmem:s10+$0x15000] =	vst v13  }
0x206: {  	[tilespmem:s6+$0x80] =	vst v15;
	v13 =	vld.idx.msk [tilespmem:v14+s16+$0x0], $0xffff;
	v14 =	vor.u32 $0x300, v2  }
0x207: {  	v15 =	vld.idx.msk [tilespmem:v16+s16+$0x0], $0xffff;
	[tilespmem:s6+$0x10] =	vst v7;
	v7 =	vor.u32 $0x300, v1  }
0x208: {  	v16 =	vld.idx.msk [tilespmem:v17+s16+$0x0], $0xffff;
	[tilespmem:s6+$0x20] =	vst v9  }
0x209: {  	v9 =	vor.u32 $0x180, v3;
	v17 =	vld.idx.msk [tilespmem:v19+s16+$0x0], $0xffff;
	[tilespmem:s6+$0x30] =	vst v12  }
0x20a: {  	v12 =	vor.u32 $0x100, v4;
	v19 =	vld.idx.msk [tilespmem:v21+s16+$0x0], $0xffff;
	[tilespmem:s4+$0x15000] =	vst v10  }
0x20b: {  	v10 =	vor.u32 $0x100, v6;
	s4 =	sor.u32 $0x380, s8;
	v14 =	vld.idx.msk [tilespmem:v14+s16+$0x0], $0xffff;
	[tilespmem:s1+$0x15000] =	vst v11  }
0x20c: {  	[tilespmem:s4+$0x15000] =	vst v13;
	v7 =	vld.idx.msk [tilespmem:v7+s16+$0x0], $0xffff  }
0x20d: {  	v13 =	vor.u32 $0x100, v5;
	v11 =	vld [tilespmem:s23+$0x0];
	[tilespmem:s6+$0x100] =	vst v15  }
0x20e: {  	v15 =	vor.u32 $0x300, v0;
	v9 =	vld.idx.msk [tilespmem:v9+s16+$0x0], $0xffff;
	[tilespmem:s6+$0x90] =	vst v16  }
0x20f: {  	s30 =	sadd.s32 $0x40, s30;
	v16 =	vor.u32 $0x380, v2;
	v2 =	vmov v4;
	v12 =	vld.idx.msk [tilespmem:v12+s16+$0x0], $0xffff;
	[tilespmem:s6+$0xA0] =	vst v17  }
0x210: {  	s14 =	sadd.s32 $0x4, s14;
	s1 =	sand.u32 $0x7C0, s30;
	v4 =	vor.u32 $0x200, v3;
	v10 =	vld.idx.msk [tilespmem:v10+s16+$0x0], $0xffff;
	[tilespmem:s6+$0xB0] =	vst v19  }
0x211: {  	p2 =	slt.u32 s14, $0x7C;
	v19 =	vor.u32 $0x180, v2;
	v17 =	vld [tilespmem:s1+$0x800];
	[tilespmem:s11+$0x15000] =	vst v8  }
0x212: {  	v8 =	vor.u32 $0x180, v6;
	v13 =	vld.idx.msk [tilespmem:v13+s16+$0x0], $0xffff;
	[tilespmem:s7+$0x15000] =	vst v14  }
0x213: {  	[tilespmem:s12+$0x15000] =	vst v7;
	v7 =	vor.u32 $0x380, v1;
	v14 =	vld.idx.msk [tilespmem:v15+s16+$0x0], $0xffff;
	v1 =	vmov v6  }
0x214: {  	v6 =	vshll.u32 v18, $0x3;
	[tilespmem:s6+$0x180] =	vst v9;
	v9 =	vor.u32 $0x180, v5;
	v15 =	vld.idx.msk [tilespmem:v16+s16+$0x0], $0xffff  }
0x215: {  	v16 =	vand.u32 $0x7F, v18;
	v6 =	vand.u32 $0xFFFFFC00, v6;
	v18 =	vld.idx.msk [tilespmem:v4+s16+$0x0], $0xffff;
	[tilespmem:s6+$0x110] =	vst v12;
	v12 =	vor.u32 $0x380, v0;
	v0 =	vmovc v5  }
0x216: {  	p1 =	por !p1, !p1;
	s1 =	simm.s32 $0x1;
	v4 =	vor.u32 v16, v6;
	v5 =	vshll.u32 v17, $0x3;
	v16 =	vld.idx.msk [tilespmem:v19+s16+$0x0], $0xffff;
	[tilespmem:s6+$0x120] =	vst v10  }
0x217: {  	s1 =	simm.s32 @!p1 $0x0;
	v6 =	vand.u32 $0x7F, v17;
	v10 =	vor.u32 $0x280, v3;
	v5 =	vand.u32 $0xFFFFFC00, v5;
	v8 =	vld.idx.msk [tilespmem:v8+s16+$0x0], $0xffff  }
0x218: {  	s1 =	sshll.u32 s1, $0x6;
	v17 =	vor.u32 v6, v5;
	[tilespmem:s6+$0x130] =	vst v13;
	v13 =	vld.idx.msk [tilespmem:v7+s16+$0x0], $0xffff  }
0x219: {  	s8 =	sadd.s32 s1, s2;
	v19 =	vor.u32 $0x200, v2;
	v9 =	vld.idx.msk [tilespmem:v9+s16+$0x0], $0xffff;
	[tilespmem:s3+$0x15000] =	vst v14  }
0x21a: {  	s1 =	sor.u32 $0x200, s8;
	s10 =	sadd.s32 $0x20, s8;
	v5 =	vand.u32 $0x7F, v20;
	v6 =	vshll.u32 v20, $0x3;
	s3 =	sadd.s32 $0x10, s8;
	v14 =	vor.u32 $0x200, v1;
	[tilespmem:s0+$0x15000] =	vst v15;
	v12 =	vld.idx.msk [tilespmem:v12+s16+$0x0], $0xffff  }
0x21b: {  	s18 =	sadd.s32 $0x30, s8;
	s17 =	sor.u32 $0x200, s10;
	v6 =	vand.u32 $0xFFFFFC00, v6;
	v15 =	vshll.u32 v11, $0x3;
	s13 =	sor.u32 $0x200, s3;
	v7 =	vld.idx.msk [tilespmem:v4+s16+$0x0], $0xffff;
	[tilespmem:s1+$0x15000] =	vst v18;
	v18 =	vor.u32 $0x200, v0  }
0x21c: {  	s19 =	sor.u32 $0x200, s18;
	v6 =	vor.u32 v5, v6;
	v5 =	vand.u32 $0x7F, v11;
	s4 =	sor.u32 $0x280, s3;
	v11 =	vand.u32 $0xFFFFFC00, v15;
	s1 =	sor.u32 $0x280, s10;
	v10 =	vld.idx.msk [tilespmem:v10+s16+$0x0], $0xffff;
	[tilespmem:s6+$0x190] =	vst v16  }
0x21d: {  	s12 =	sor.u32 $0x300, s10;
	s11 =	sor.u32 $0x280, s18;
	s7 =	sor.u32 $0x300, s3;
	v5 =	vor.u32 v5, v11;
	v15 =	vld.idx.msk [tilespmem:v17+s16+$0x0], $0xffff;
	[tilespmem:s6+$0x1A0] =	vst v8  }
0x21e: {  	s0 =	sor.u32 $0x380, s3;
	s3 =	sor.u32 $0x300, s18;
	v8 =	vor.u32 $0x300, v3;
	v11 =	vld.idx.msk [tilespmem:v19+s16+$0x0], $0xffff;
	[tilespmem:s28+$0x15000] =	vst v13;
	s28 =	sor.u32 $0x380, s10  }
0x21f: {  	v16 =	vor.u32 $0x80, v17;
	v19 =	vld.idx.msk [tilespmem:v14+s16+$0x0], $0xffff;
	[tilespmem:s6+$0x1B0] =	vst v9;
	s6 =	sor.u32 $0x380, s18  }
0x220: {  	s2 =	sadd.s32 $0x200, s2;
	v20 =	vor.u32 $0x280, v2;
	v18 =	vld.idx.msk [tilespmem:v18+s16+$0x0], $0xffff;
	[tilespmem:s29+$0x15000] =	vst v12;
	s29 =	smov.u32 s6  }
0x221: {  	v21 =	vor.u32 $0x280, v1;
	s10 =	sand.u32 $0x3C00, s2;
	s18 =	sor.u32 $0x280, s8;
	s6 =	sand.u32 $0x40, s30;
	v9 =	vld.idx.msk [tilespmem:v6+s16+$0x0], $0xffff  }
0x222: {  	v22 =	vor.u32 $0x280, v0;
	s6 =	sor.u32 s6, s10;
	v12 =	vld.idx.msk [tilespmem:v5+s16+$0x0], $0xffff;
	[tilespmem:s18+$0x15000] =	vst v10  }
.Ltmp5:
0x223: {  	[tilespmem:s6+$0x15000] =	vst v15;
	v13 =	vld.idx.msk [tilespmem:v8+s16+$0x0], $0xffff;
	(pc) =	sbr.rel @p2 .LBB2_9-.Ltmp5, $4  }
0x224: {  	v15 =	vld.idx.msk [tilespmem:v16+s16+$0x0], $0xffff;
	[tilespmem:s13+$0x15000] =	vst v11  }
0x225: {  	v14 =	vor.u32 $0x380, v3;
	v3 =	vmov v17;
	v10 =	vld.idx.msk [tilespmem:v20+s16+$0x0], $0xffff;
	[tilespmem:s17+$0x15000] =	vst v19  }
0x226: {  	v16 =	vor.u32 $0x100, v3;
	v11 =	vld.idx.msk [tilespmem:v21+s16+$0x0], $0xffff;
	[tilespmem:s19+$0x15000] =	vst v18  }
0x227: {  	s23 =	sadd.s32 $0x40, s23;
	v17 =	vor.u32 $0x80, v4;
	v8 =	vld.idx.msk [tilespmem:v22+s16+$0x0], $0xffff  }
0x228: {  	v18 =	vor.u32 $0x80, v6  }
0x229: {  	v19 =	vor.u32 $0x80, v5  }
0x22a: {  	s6 =	sadd.s32 $0x15000, s6  }
0x22b: {  	[tilespmem:s6+$0x10] =	vst v7  }
0x22c: {  	[tilespmem:s6+$0x20] =	vst v9;
	v7 =	vld.idx.msk [tilespmem:v17+s16+$0x0], $0xffff  }
0x22d: {  	v24 =	vor.u32 $0x100, v4;
	[tilespmem:s6+$0x30] =	vst v12;
	v9 =	vld.idx.msk [tilespmem:v18+s16+$0x0], $0xffff  }
0x22e: {  	v26 =	vor.u32 $0x100, v6;
	v25 =	vld.idx.msk [tilespmem:v19+s16+$0x0], $0xffff  }
0x22f: {  	v27 =	vor.u32 $0x100, v5  }
0x230: {  	[tilespmem:s6+$0x80] =	vst v15  }
0x231: {  	v15 =	vld.idx.msk [tilespmem:v16+s16+$0x0], $0xffff;
	[tilespmem:s6+$0x90] =	vst v7  }
0x232: {  	v28 =	vor.u32 $0x180, v3;
	v12 =	vld.idx.msk [tilespmem:v24+s16+$0x0], $0xffff;
	[tilespmem:s6+$0xA0] =	vst v9  }
0x233: {  	v29 =	vor.u32 $0x180, v4;
	[tilespmem:s6+$0xB0] =	vst v25;
	v9 =	vld.idx.msk [tilespmem:v26+s16+$0x0], $0xffff  }
0x234: {  	s10 =	sor.u32 $0x300, s8;
	v30 =	vor.u32 $0x180, v6;
	v31 =	vld.idx.msk [tilespmem:v27+s16+$0x0], $0xffff  }
0x235: {  	v32 =	vor.u32 $0x180, v5;
	[tilespmem:s10+$0x15000] =	vst v13  }
0x236: {  	[tilespmem:s6+$0x100] =	vst v15  }
0x237: {  	v7 =	vld.idx.msk [tilespmem:v28+s16+$0x0], $0xffff;
	[tilespmem:s6+$0x110] =	vst v12  }
0x238: {  	v33 =	vor.u32 $0x200, v3;
	v34 =	vld.idx.msk [tilespmem:v29+s16+$0x0], $0xffff;
	[tilespmem:s6+$0x120] =	vst v9  }
0x239: {  	v35 =	vor.u32 $0x200, v4;
	[tilespmem:s6+$0x130] =	vst v31;
	v9 =	vld.idx.msk [tilespmem:v30+s16+$0x0], $0xffff  }
0x23a: {  	v37 =	vor.u32 $0x200, v6;
	[tilespmem:s4+$0x15000] =	vst v10;
	v36 =	vld.idx.msk [tilespmem:v32+s16+$0x0], $0xffff  }
0x23b: {  	v38 =	vor.u32 $0x200, v5;
	[tilespmem:s1+$0x15000] =	vst v11  }
0x23c: {  	v39 =	vor.u32 $0x300, v2;
	v14 =	vld.idx.msk [tilespmem:v14+s16+$0x0], $0xffff;
	[tilespmem:s6+$0x180] =	vst v7  }
0x23d: {  	v40 =	vor.u32 $0x300, v1;
	p1 =	por !p1, !p1;
	s1 =	simm.s32 $0x1;
	v12 =	vld.idx.msk [tilespmem:v33+s16+$0x0], $0xffff;
	[tilespmem:s6+$0x190] =	vst v34  }
0x23e: {  	v41 =	vor.u32 $0x280, v3;
	s1 =	simm.s32 @!p1 $0x0;
	v42 =	vld.idx.msk [tilespmem:v35+s16+$0x0], $0xffff;
	[tilespmem:s6+$0x1A0] =	vst v9  }
0x23f: {  	v43 =	vor.u32 $0x280, v4;
	s1 =	sshll.u32 s1, $0x6;
	[tilespmem:s6+$0x1B0] =	vst v36;
	v13 =	vld.idx.msk [tilespmem:v37+s16+$0x0], $0xffff  }
0x240: {  	s31 =	sor.u32 $0x380, s8;
	v44 =	vor.u32 $0x280, v6;
	[tilespmem:s11+$0x15000] =	vst v8;
	s1 =	sadd.s32 s1, s2;
	v11 =	vld.idx.msk [tilespmem:v38+s16+$0x0], $0xffff  }
0x241: {  	v46 =	vor.u32 $0x280, v5;
	v45 =	vld.idx.msk [tilespmem:v39+s16+$0x0], $0xffff;
	[tilespmem:s31+$0x15000] =	vst v14;
	s8 =	sor.u32 $0x200, s1;
	s2 =	sadd.s32 $0x10, s1  }
0x242: {  	v47 =	vor.u32 $0x300, v0;
	s10 =	sadd.s32 $0x20, s1;
	s22 =	sor.u32 $0x200, s2;
	v7 =	vld.idx.msk [tilespmem:v40+s16+$0x0], $0xffff;
	[tilespmem:s8+$0x15000] =	vst v12  }
0x243: {  	v48 =	vor.u32 $0x380, v2;
	s30 =	sadd.s32 $0x30, s1;
	s23 =	sor.u32 $0x200, s10;
	v12 =	vld.idx.msk [tilespmem:v41+s16+$0x0], $0xffff;
	[tilespmem:s22+$0x15000] =	vst v42  }
0x244: {  	v49 =	vor.u32 $0x300, v3;
	s31 =	sor.u32 $0x200, s30;
	v10 =	vld.idx.msk [tilespmem:v43+s16+$0x0], $0xffff;
	[tilespmem:s23+$0x15000] =	vst v13  }
0x245: {  	v50 =	vor.u32 $0x300, v4;
	[tilespmem:s31+$0x15000] =	vst v11;
	v13 =	vld.idx.msk [tilespmem:v44+s16+$0x0], $0xffff  }
0x246: {  	v51 =	vor.u32 $0x300, v6;
	[tilespmem:s7+$0x15000] =	vst v45;
	v8 =	vld.idx.msk [tilespmem:v46+s16+$0x0], $0xffff  }
0x247: {  	v53 =	vor.u32 $0x300, v5;
	v52 =	vld.idx.msk [tilespmem:v47+s16+$0x0], $0xffff;
	s11 =	sor.u32 $0x280, s1;
	[tilespmem:s12+$0x15000] =	vst v7  }
0x248: {  	v55 =	vor.u32 $0x380, v0;
	v2 =	vld.idx.msk [tilespmem:v48+s16+$0x0], $0xffff;
	s12 =	sor.u32 $0x280, s2;
	[tilespmem:s11+$0x15000] =	vst v12  }
0x249: {  	v54 =	vor.u32 $0x380, v1;
	s13 =	sor.u32 $0x280, s10;
	v9 =	vld.idx.msk [tilespmem:v49+s16+$0x0], $0xffff;
	[tilespmem:s12+$0x15000] =	vst v10  }
0x24a: {  	v56 =	vor.u32 $0x380, v3;
	s14 =	sor.u32 $0x280, s30;
	v10 =	vld.idx.msk [tilespmem:v50+s16+$0x0], $0xffff;
	[tilespmem:s13+$0x15000] =	vst v13  }
0x24b: {  	v58 =	vor.u32 $0x380, v4;
	[tilespmem:s14+$0x15000] =	vst v8;
	v57 =	vld.idx.msk [tilespmem:v51+s16+$0x0], $0xffff  }
0x24c: {  	v59 =	vor.u32 $0x380, v6;
	[tilespmem:s3+$0x15000] =	vst v52;
	v60 =	vld.idx.msk [tilespmem:v53+s16+$0x0], $0xffff  }
0x24d: {  	v61 =	vor.u32 $0x380, v5;
	s17 =	sor.u32 $0x300, s1;
	v0 =	vld.idx.msk [tilespmem:v55+s16+$0x0], $0xffff;
	[tilespmem:s0+$0x15000] =	vst v2  }
0x24e: {  	s18 =	sor.u32 $0x300, s2;
	v1 =	vld.idx.msk [tilespmem:v54+s16+$0x0], $0xffff;
	[tilespmem:s17+$0x15000] =	vst v9  }
0x24f: {  	s19 =	sor.u32 $0x300, s10;
	v3 =	vld.idx.msk [tilespmem:v56+s16+$0x0], $0xffff;
	[tilespmem:s18+$0x15000] =	vst v10  }
0x250: {  	s20 =	sor.u32 $0x300, s30;
	v4 =	vld.idx.msk [tilespmem:v58+s16+$0x0], $0xffff;
	[tilespmem:s19+$0x15000] =	vst v57  }
0x251: {  	[tilespmem:s20+$0x15000] =	vst v60;
	v62 =	vld.idx.msk [tilespmem:v59+s16+$0x0], $0xffff  }
0x252: {  	[tilespmem:s29+$0x15000] =	vst v0;
	v63 =	vld.idx.msk [tilespmem:v61+s16+$0x0], $0xffff  }
0x253: {  	[tilespmem:s28+$0x15000] =	vst v1;
	s22 =	sor.u32 $0x380, s1  }
.Ltmp6:
0x254: {  	s23 =	sor.u32 $0x380, s2;
	[tilespmem:s22+$0x15000] =	vst v3;
	(pc) =	sbr.rel @p0 .LBB2_12-.Ltmp6, $4  }
0x255: {  	s28 =	sor.u32 $0x380, s10;
	[tilespmem:s23+$0x15000] =	vst v4  }
0x256: {  	s29 =	sor.u32 $0x380, s30;
	[tilespmem:s28+$0x15000] =	vst v62  }
0x257: {  	s30 =	sadd.s32 s26, s9;
	s31 =	simm.s32 $0x15000;
	[tilespmem:s29+$0x15000] =	vst v63  }
0x258: {  	[hbm4b:s30+s5] =	stream.linear.scatter [tilespmem:s31], [sflag:$0x4], $0x4000, $0x38;
	[tilespmem:$0x19000] =	vst v63  }
.Ltmp7:
0x259: {  	s0 =	rddreg [dreg:$0x8];
	(pc) =	sbr.rel .LBB2_2-.Ltmp7, $4  }
0x25a: {  	s0 =	sadd.s32 s25, s0  }
0x25b: {  	s1 =	rddreg [dreg:$0x0];
	s0 =	sshll.u32 s0, $0xC  }
0x25c: {  	s24 =	sadd.s32 $0x1, s24;
	s0 =	sadd.s32 s1, s0  }
0x25d: {  	[tilespmem:s16], [sflag:$0x2] =	stream.linear.gather [hbm4b:s0+s5], $0x8000, $0x38;
	[tilespmem:$0x19000] =	vst v63  }
.LBB2_13:
0x25e: {  	_ =	sfence.sel $0x180000  }
0x25f: {  	[bflag:$0x0] =	sbarrier.arrive $0xFFFF  }
0x260: {  	_ =	strace $0x90000047  }
0x261: {  	s0 =	stileid.u32;
	[bflag:$0x2] =	sbarrier.arrive $0xFFFF  }
0x262: {  	p0 =	sne.s32 s0, $0x0;
	s0 =	rddreg [dreg:$0x3]  }
0x263: {  	s0 =	sadd.s32 @!p0 $0x100000, s0  }
0x264: {  	[sflag:s0] =	ssyncadd.tile.s32 @!p0 $0x1;
	_ =	shalt  }
.Lfunc_end2:
_tile_overlayer_lowered:
.L_overlay_start_2:
0x265: {  	(tag) =	ssettag $0x2  }
0x266: {  	s0 =	rddreg [dreg:$0x0];
	s2 =	stileid.u32  }
0x267: {  	s1 =	rddreg [dreg:$0x1];
	p0 =	sne.s32 s2, $0x0  }
0x268: {  	s3 =	rddreg [dreg:$0x2];
	[bflag:$0x3] =	sbarrier.arrive $0xFFFF;
	s2 =	simm.s32 @!p0 $0x1C05  }
0x269: {  	[timem:s3], [sflag:s2] =	dma.local @!p0 [hbm:s0], s1  }
0x26a: {  	s0 =	simm.s32 @!p0 $0x5  }
0x26b: {  	_ =	swait.ge @!p0 [sflag:s0], s1  }
0x26c: {  	s1 =	ssub.s32 @!p0 $0x0, s1;
	[sflag:s0] =	ssyncset.done @!p0 $0x0  }
0x26d: {  	[sflag:s0] =	ssyncadd.s32 @!p0 s1  }
0x26e: {  	[bflag:$0x3] =	sbarrier.arrive $0xFFFF  }
0x26f: {  	_ =	shalt  }

</sc_bundles>
